<compile_context>
chip_gen: v7x
topology: tpu7x:2x2x1
jax: 0.10.2.dev20260603
libtpu: 0.0.44.dev20260713+nightly
codegen_flags: <defaults>
</compile_context>

<pallas_src>
import functools

import jax
import jax.numpy as jnp
from jax import lax
from jax.experimental import pallas as pl
from jax.experimental.pallas import tpu as pltpu
from jax.experimental.pallas import tpu_sc as plsc

_E = 16
_TOPK = 2
_TM = 256
_TG = 512


def _gate_body(x_ref, gw_ref, w_ref, idx_ref, rnk_ref, tcnt_ref):
    xv = x_ref[...]
    logits = lax.dot_general(xv, gw_ref[...], (((1,), (1,)), ((), ())),
                             preferred_element_type=jnp.float32)
    s = jax.nn.sigmoid(logits)
    iota = lax.broadcasted_iota(jnp.int32, s.shape, 1)
    m1 = jnp.max(s, axis=1, keepdims=True)
    i1 = jnp.min(jnp.where(s >= m1, iota, _E), axis=1, keepdims=True)
    s2 = jnp.where(iota == i1, -1.0, s)
    m2 = jnp.max(s2, axis=1, keepdims=True)
    i2 = jnp.min(jnp.where(s2 >= m2, iota, _E), axis=1, keepdims=True)
    tot = m1 + m2
    w_ref[...] = jnp.concatenate([m1 / tot, m2 / tot], axis=1)
    idx_ref[...] = jnp.concatenate([i1, i2], axis=1)
    oh = ((iota == i1) | (iota == i2)).astype(jnp.float32)
    rr = lax.broadcasted_iota(jnp.int32, (_TG, _TG), 0)
    cc = lax.broadcasted_iota(jnp.int32, (_TG, _TG), 1)
    lt = (rr > cc).astype(jnp.float32)
    ranks = lax.dot_general(lt, oh, (((1,), (0,)), ((), ())),
                            preferred_element_type=jnp.float32)
    r1 = jnp.sum(jnp.where(iota == i1, ranks, 0.0), axis=1, keepdims=True)
    r2 = jnp.sum(jnp.where(iota == i2, ranks, 0.0), axis=1, keepdims=True)
    rnk_ref[...] = jnp.concatenate([r1, r2], axis=1).astype(jnp.int32)
    tcnt_ref[...] = jnp.sum(oh, axis=0).astype(jnp.int32).reshape(1, 1, _E)


def _gating(x_flat, gate_W):
    n, c = x_flat.shape
    nt = n // _TG
    return pl.pallas_call(
        _gate_body,
        grid=(nt,),
        in_specs=[
            pl.BlockSpec((_TG, c), lambda t: (t, 0)),
            pl.BlockSpec((_E, c), lambda t: (0, 0)),
        ],
        out_specs=[
            pl.BlockSpec((_TG, _TOPK), lambda t: (t, 0)),
            pl.BlockSpec((_TG, _TOPK), lambda t: (t, 0)),
            pl.BlockSpec((_TG, _TOPK), lambda t: (t, 0)),
            pl.BlockSpec((1, 1, _E), lambda t: (t, 0, 0)),
        ],
        out_shape=[
            jax.ShapeDtypeStruct((n, _TOPK), jnp.float32),
            jax.ShapeDtypeStruct((n, _TOPK), jnp.int32),
            jax.ShapeDtypeStruct((n, _TOPK), jnp.int32),
            jax.ShapeDtypeStruct((nt, 1, _E), jnp.int32),
        ],
    )(x_flat, gate_W)


def _dst_body(idx_ref, rnk_ref, bt_ref, po_ref, d0_ref, d1_ref):
    idx = idx_ref[...]
    rnk = rnk_ref[...]
    base_row = bt_ref[0]
    poff = po_ref[...]

    def sel(tbl, ids):
        io = lax.broadcasted_iota(jnp.int32, (_TG, _E), 1)
        return jnp.sum(jnp.where(io == ids, tbl, 0), axis=1, keepdims=True)

    d0_ref[...] = (sel(poff, idx[:, 0:1]) + sel(base_row, idx[:, 0:1])
                   + rnk[:, 0:1])
    d1_ref[...] = (sel(poff, idx[:, 1:2]) + sel(base_row, idx[:, 1:2])
                   + rnk[:, 1:2])


def _dst_rows(idx2, rnk2, base_tile, pad_off16):
    n = idx2.shape[0]
    nt = n // _TG
    return pl.pallas_call(
        _dst_body,
        grid=(nt,),
        in_specs=[
            pl.BlockSpec((_TG, _TOPK), lambda t: (t, 0)),
            pl.BlockSpec((_TG, _TOPK), lambda t: (t, 0)),
            pl.BlockSpec((1, 1, _E), lambda t: (t, 0, 0)),
            pl.BlockSpec((1, _E), lambda t: (0, 0)),
        ],
        out_specs=[
            pl.BlockSpec((_TG, 1), lambda t: (t, 0)),
            pl.BlockSpec((_TG, 1), lambda t: (t, 0)),
        ],
        out_shape=[
            jax.ShapeDtypeStruct((n, 1), jnp.int32),
            jax.ShapeDtypeStruct((n, 1), jnp.int32),
        ],
    )(idx2, rnk2, base_tile.reshape(nt, 1, _E), pad_off16)


def _sc_scatter_pairs(x_flat, pos_all, mp):
    n, d = x_flat.shape
    info = plsc.get_sparse_core_info()
    nw = info.num_cores * info.num_subcores
    t_per_w = n // nw
    tc = 32 if t_per_w % 32 == 0 else t_per_w
    n_ch = t_per_w // tc
    mesh = plsc.VectorSubcoreMesh(core_axis_name="c", subcore_axis_name="s")

    @functools.partial(
        pl.kernel, mesh=mesh,
        out_type=jax.ShapeDtypeStruct((mp, d), jnp.float32),
        scratch_types=[
            pltpu.VMEM((tc,), jnp.int32),
            pltpu.VMEM((tc,), jnp.int32),
            pltpu.VMEM((tc, d), jnp.float32),
            pltpu.SemaphoreType.DMA,
        ],
    )
    def k(x_hbm, pos_hbm, xs_hbm, idx0_v, idx1_v, rows_v, sem):
        wid = lax.axis_index("s") * info.num_cores + lax.axis_index("c")
        base = wid * t_per_w

        def body(cc, carry):
            off = base + cc * tc
            pltpu.sync_copy(x_hbm.at[pl.ds(off, tc)], rows_v)
            pltpu.sync_copy(pos_hbm.at[pl.ds(off, tc)], idx0_v)
            pltpu.sync_copy(pos_hbm.at[pl.ds(n + off, tc)], idx1_v)
            c0 = pltpu.async_copy(rows_v, xs_hbm.at[idx0_v], sem)
            c1 = pltpu.async_copy(rows_v, xs_hbm.at[idx1_v], sem)
            c0.wait()
            c1.wait()
            return carry

        lax.fori_loop(0, n_ch, body, 0)

    return k(x_flat, pos_all)


def _sc_gather(table, idx):
    v, d = table.shape
    b = idx.shape[0]
    info = plsc.get_sparse_core_info()
    nw = info.num_cores * info.num_subcores
    assert b % nw == 0
    b_per_w = b // nw
    ch = 64 if b_per_w % 64 == 0 else b_per_w
    n_ch = b_per_w // ch
    mesh = plsc.VectorSubcoreMesh(core_axis_name="c", subcore_axis_name="s")

    @functools.partial(
        pl.kernel, mesh=mesh,
        out_type=jax.ShapeDtypeStruct((b, d), table.dtype),
        scratch_types=[
            pltpu.VMEM((ch,), jnp.int32),
            pltpu.VMEM((ch, d), table.dtype),
            pltpu.SemaphoreType.DMA,
        ],
    )
    def k(table_hbm, idx_hbm, out_hbm, idx_v, rows_v, sem):
        wid = lax.axis_index("s") * info.num_cores + lax.axis_index("c")
        base = wid * b_per_w

        def body(cc, carry):
            off = base + cc * ch
            pltpu.sync_copy(idx_hbm.at[pl.ds(off, ch)], idx_v)
            pltpu.async_copy(table_hbm.at[idx_v], rows_v, sem).wait()
            pltpu.sync_copy(rows_v, out_hbm.at[pl.ds(off, ch)])
            return carry

        lax.fori_loop(0, n_ch, body, 0)

    return k(table, idx)


def _ffn_body(te_ref, used_ref, xs_ref, wg_ref, wd_ref, os_ref):
    t = pl.program_id(0)

    @pl.when(used_ref[t] > 0)
    def _():
        h2 = wd_ref.shape[2]
        xv = xs_ref[...].astype(jnp.bfloat16)
        g = lax.dot_general(xv, wg_ref[0], (((1,), (1,)), ((), ())),
                            preferred_element_type=jnp.float32)
        y, gg = g[:, :h2], g[:, h2:]
        h = (y * (gg * jax.nn.sigmoid(gg))).astype(jnp.bfloat16)
        os_ref[...] = lax.dot_general(h, wd_ref[0], (((1,), (1,)), ((), ())),
                                      preferred_element_type=jnp.float32)


def _grouped_ffn(xs, expert_gate_W, expert_down_W, tile_expert, tile_used):
    mp, c = xs.shape
    nt = mp // _TM
    h2 = expert_down_W.shape[2]
    grid_spec = pltpu.PrefetchScalarGridSpec(
        num_scalar_prefetch=2,
        grid=(nt,),
        in_specs=[
            pl.BlockSpec((_TM, c), lambda t, te, u: (t, 0)),
            pl.BlockSpec((1, 2 * h2, c), lambda t, te, u: (te[t], 0, 0)),
            pl.BlockSpec((1, c, h2), lambda t, te, u: (te[t], 0, 0)),
        ],
        out_specs=pl.BlockSpec((_TM, c), lambda t, te, u: (t, 0)),
    )
    return pl.pallas_call(
        _ffn_body,
        grid_spec=grid_spec,
        out_shape=jax.ShapeDtypeStruct((mp, c), jnp.float32),
    )(tile_expert, tile_used, xs, expert_gate_W, expert_down_W)


def _shared_body(x_ref, wsg_ref, wsd_ref, out_ref):
    hs = wsd_ref.shape[1]
    xv = x_ref[...]
    g = lax.dot_general(xv, wsg_ref[...], (((1,), (1,)), ((), ())),
                        preferred_element_type=jnp.float32)
    y, gg = g[:, :hs], g[:, hs:]
    h = y * (gg * jax.nn.sigmoid(gg))
    out_ref[...] = lax.dot_general(h, wsd_ref[...], (((1,), (1,)), ((), ())),
                                   preferred_element_type=jnp.float32)


def _shared_ffn(x_flat, shared_gate_W, shared_down_W):
    n, c = x_flat.shape
    hs = shared_down_W.shape[1]
    tm = 256
    rt = n // tm
    return pl.pallas_call(
        _shared_body,
        grid=(rt,),
        in_specs=[
            pl.BlockSpec((tm, c), lambda t: (t, 0)),
            pl.BlockSpec((2 * hs, c), lambda t: (0, 0)),
            pl.BlockSpec((c, hs), lambda t: (0, 0)),
        ],
        out_specs=pl.BlockSpec((tm, c), lambda t: (t, 0)),
        out_shape=jax.ShapeDtypeStruct((n, c), jnp.float32),
    )(x_flat, shared_gate_W, shared_down_W)


def _combine_body(sh_ref, r0_ref, r1_ref, w_ref, out_ref):
    wv = w_ref[...]
    out_ref[...] = (sh_ref[...] + wv[:, 0:1] * r0_ref[...]
                    + wv[:, 1:2] * r1_ref[...])


def _combine(shared_out, routed, w2):
    n, c = shared_out.shape
    tm = 512
    rt = n // tm
    return pl.pallas_call(
        _combine_body,
        grid=(rt,),
        in_specs=[
            pl.BlockSpec((tm, c), lambda t: (t, 0)),
            pl.BlockSpec((tm, c), lambda t: (t, 0)),
            pl.BlockSpec((tm, c), lambda t: (t + rt, 0)),
            pl.BlockSpec((tm, _TOPK), lambda t: (t, 0)),
        ],
        out_specs=pl.BlockSpec((tm, c), lambda t: (t, 0)),
        out_shape=jax.ShapeDtypeStruct((n, c), jnp.float32),
    )(shared_out, routed, routed, w2)


def kernel(x, gate_W, shared_gate_W, shared_down_W, expert_gate_W, expert_down_W):
    bs, ts, c = x.shape
    n = bs * ts
    x_flat = x.reshape(n, c)
    m = n * _TOPK
    mp = m + _E * _TM
    nt = mp // _TM

    w2, idx2, rnk2, tcnt = _gating(x_flat, gate_W)

    tcnt = tcnt.reshape(-1, _E)
    base_tile = jnp.cumsum(tcnt, axis=0) - tcnt
    cnt = jnp.sum(tcnt, axis=0)
    pad_cnt = ((cnt + _TM - 1) // _TM) * _TM
    pad_off = jnp.concatenate([jnp.zeros((1,), jnp.int32),
                               jnp.cumsum(pad_cnt).astype(jnp.int32)])
    tile_row = jnp.arange(nt, dtype=jnp.int32) * _TM
    tile_expert = jnp.clip(
        jnp.sum((tile_row[:, None] >= pad_off[None, 1:]).astype(jnp.int32),
                axis=1), 0, _E - 1).astype(jnp.int32)
    tile_used = (tile_row < pad_off[_E]).astype(jnp.int32)

    d0, d1 = _dst_rows(idx2, rnk2, base_tile, pad_off[:_E].reshape(1, _E))
    pos_all = jnp.concatenate([d0.reshape(n), d1.reshape(n)])

    xs = _sc_scatter_pairs(x_flat, pos_all, mp)
    shared_out = _shared_ffn(x_flat, shared_gate_W, shared_down_W)
    os_ = _grouped_ffn(xs, expert_gate_W.astype(jnp.bfloat16),
                       expert_down_W.astype(jnp.bfloat16), tile_expert,
                       tile_used)
    routed = _sc_gather(os_, pos_all)
    out = _combine(shared_out, routed, w2)
    return out.reshape(bs, ts, c)

# --- scband reference (transcript-rebuilt; emitter-appended) ---
"""Pipeline reference for scband-mo-e-20298015441100 (READ-ONLY COPY).

The authoritative reference and input builder live on the scoring server;
editing this copy changes nothing except your own understanding.
"""

import jax, jax.numpy as jnp
import numpy as np

N_EMBD = 1024
N_SHARED = 2
N_EXPERTS = 16
TOPK = 2
EXPERT_H = 512
SHARED_H = ((N_SHARED * EXPERT_H + 255) // 256) * 256
B, T = 2, 2048


def setup_inputs(seed: int = 0):
    key = jax.random.key(seed)
    ks = jax.random.split(key, 6)
    x = jax.random.normal(ks[0], (B, T, N_EMBD), dtype=jnp.float32)
    gate_W = jax.random.normal(ks[1], (N_EXPERTS, N_EMBD), dtype=jnp.float32) * 0.02
    shared_gate_W = jax.random.normal(ks[2], (SHARED_H * 2, N_EMBD), dtype=jnp.float32) * 0.02
    shared_down_W = jax.random.normal(ks[3], (N_EMBD, SHARED_H), dtype=jnp.float32) * 0.02
    expert_gate_W = jax.random.normal(ks[4], (N_EXPERTS, EXPERT_H * 2, N_EMBD), dtype=jnp.float32) * 0.02
    expert_down_W = jax.random.normal(ks[5], (N_EXPERTS, N_EMBD, EXPERT_H), dtype=jnp.float32) * 0.02
    return {"x": x, "gate_W": gate_W, "shared_gate_W": shared_gate_W, "shared_down_W": shared_down_W, "expert_gate_W": expert_gate_W, "expert_down_W": expert_down_W}


def reference(x, gate_W, shared_gate_W, shared_down_W, expert_gate_W, expert_down_W):
    Bs, Ts, C = x.shape
    x_flat = x.reshape(-1, C)
    N = x_flat.shape[0]
    # SharedExpert (always active, SwiGLU)
    sh = x_flat @ shared_gate_W.T
    y_s, g_s = jnp.split(sh, 2, axis=-1)
    shared = (jax.nn.silu(g_s) * y_s) @ shared_down_W.T
    # Gate: sigmoid scores + zero-init bias buffer (no effect on first forward)
    logits = x_flat @ gate_W.T
    scores = jax.nn.sigmoid(logits)
    _, topk_idx = jax.lax.top_k(scores, TOPK)
    weights = jnp.take_along_axis(scores, topk_idx, axis=-1)
    weights = weights / jnp.sum(weights, axis=-1, keepdims=True)  # route_scale = 1.0
    # Route tokens to experts (sorted-slice semantics via per-expert selection)
    output = jnp.zeros_like(x_flat)
    for e in range(N_EXPERTS):
        w_e = jnp.sum(weights * (topk_idx == e), axis=-1)
        ge = x_flat @ expert_gate_W[e].T
        y_e, g_e = jnp.split(ge, 2, axis=-1)
        he = jax.nn.silu(g_e) * y_e
        oe = he @ expert_down_W[e].T
        output = output + oe * w_e[:, None]
    return (shared + output).reshape(Bs, Ts, C)

if __name__ == "__main__":
    import jax
    _d = setup_inputs()
    print(jax.jit(kernel)(*tuple(_d.values())))

</pallas_src>

<mosaic_0001>
#map = affine_map<(d0, d1) -> (0, 0)>
#map1 = affine_map<(d0, d1) -> (0)>
module attributes {stable_mosaic.version = 14 : i64} {
  func.func @k(%arg0: i32, %arg1: i32, %arg2: memref<12288x1024xf32, #tpu.memory_space<hbm>>, %arg3: memref<8192xi32, #tpu.memory_space<hbm>>, %arg4: memref<8192x1024xf32, #tpu.memory_space<hbm>>, %arg5: memref<64xi32, #tpu.memory_space<vmem>>, %arg6: memref<64x1024xf32, #tpu.memory_space<vmem>>, %arg7: memref<!tpu.dma_semaphore, #tpu.memory_space<semaphore_mem>>) attributes {dimension_semantics = [#tpu.dimension_semantics<core_parallel>, #tpu.dimension_semantics<subcore_parallel>], iteration_bounds = array<i64: 2, 16>, scalar_prefetch = 0 : i64, scratch_operands = 3 : i64, tpu.core_type = #tpu.core_type<sc_vector_subcore>, window_params = [{transform_indices = #map}, {transform_indices = #map1}, {transform_indices = #map}]} {
    %mul3A = arith.constant 2 : i32
    %mul3A_0 = arith.muli %arg1, %mul3A : i32
    %add3A = arith.addi %mul3A_0, %arg0 : i32
    %mul3A_1 = arith.constant 256 : i32
    %mul3A_2 = arith.muli %add3A, %mul3A_1 : i32
    %scan3A = arith.constant 0 : i32
    %scan3A_3 = arith.constant 0 : i32
    %scan3A_4 = arith.constant 4 : i32
    %scan3A_5 = arith.addi %scan3A_3, %scan3A_4 : i32
    %scan3A_6 = arith.constant 1 : i32
    scf.for %scan3A_8 = %scan3A_3 to %scan3A_5 step %scan3A_6  : i32 {
      %mul3A_9 = arith.constant 64 : i32
      %mul3A_10 = arith.muli %scan3A_8, %mul3A_9 : i32
      %add3A_11 = arith.addi %mul3A_2, %mul3A_10 : i32
      "tpu.region"() ({
        %run_scoped3A = tpu.sem_alloc : memref<!tpu.dma_semaphore, #tpu.memory_space<semaphore_mem>>
        %dma_start3A_16 = tpu.memref_slice %arg3[%add3A_11] : memref<8192xi32, #tpu.memory_space<hbm>> -> memref<64xi32, #tpu.memory_space<hbm>>
        %dma_start3A_17 = tpu.memref_slice %arg3[%add3A_11] : memref<8192xi32, #tpu.memory_space<hbm>> -> memref<64xi32, #tpu.memory_space<hbm>>
        tpu.enqueue_dma source(%dma_start3A_17 : memref<64xi32, #tpu.memory_space<hbm>>) target(%arg5 : memref<64xi32, #tpu.memory_space<vmem>>) target_semaphore(%run_scoped3A : memref<!tpu.dma_semaphore, #tpu.memory_space<semaphore_mem>>)
        %dma_wait3A_18 = tpu.memref_slice %arg3[%add3A_11] : memref<8192xi32, #tpu.memory_space<hbm>> -> memref<64xi32, #tpu.memory_space<hbm>>
        %dma_wait3A_19 = tpu.memref_slice %arg3[%add3A_11] : memref<8192xi32, #tpu.memory_space<hbm>> -> memref<64xi32, #tpu.memory_space<hbm>>
        tpu.wait_dma2 semaphore(%run_scoped3A : memref<!tpu.dma_semaphore, #tpu.memory_space<semaphore_mem>>) src(%dma_wait3A_19 : memref<64xi32, #tpu.memory_space<hbm>>) dst(%arg5 : memref<64xi32, #tpu.memory_space<vmem>>)
        tpu.yield
      }) : () -> ()
      %dma_start3A = arith.constant 0 : i32
      %dma_start3A_12 = arith.constant 0 : i32
      %dma_start3A_13 = tpu.memref_slice %arg2[%dma_start3A, %dma_start3A_12] : memref<12288x1024xf32, #tpu.memory_space<hbm>> -> memref<12288x1024xf32, #tpu.memory_space<hbm>>
      tpu.enqueue_indirect_dma source(%dma_start3A_13 : memref<12288x1024xf32, #tpu.memory_space<hbm>>) target(%arg6 : memref<64x1024xf32, #tpu.memory_space<vmem>>) offsets(%arg5 : memref<64xi32, #tpu.memory_space<vmem>>) semaphore(%arg7 : memref<!tpu.dma_semaphore, #tpu.memory_space<semaphore_mem>>)
      %dma_wait3A = arith.constant 0 : i32
      %dma_wait3A_14 = arith.constant 0 : i32
      %dma_wait3A_15 = tpu.memref_slice %arg2[%dma_wait3A, %dma_wait3A_14] : memref<12288x1024xf32, #tpu.memory_space<hbm>> -> memref<12288x1024xf32, #tpu.memory_space<hbm>>
      tpu.wait_indirect_dma semaphore(%arg7 : memref<!tpu.dma_semaphore, #tpu.memory_space<semaphore_mem>>) src(%dma_wait3A_15 : memref<12288x1024xf32, #tpu.memory_space<hbm>>) dst(%arg6 : memref<64x1024xf32, #tpu.memory_space<vmem>>)
      "tpu.region"() ({
        %run_scoped3A = tpu.sem_alloc : memref<!tpu.dma_semaphore, #tpu.memory_space<semaphore_mem>>
        %dma_start3A_16 = arith.constant 0 : i32
        %dma_start3A_17 = tpu.memref_slice %arg4[%add3A_11, %dma_start3A_16] : memref<8192x1024xf32, #tpu.memory_space<hbm>> -> memref<64x1024xf32, #tpu.memory_space<hbm>>
        %dma_start3A_18 = arith.constant 0 : i32
        %dma_start3A_19 = tpu.memref_slice %arg4[%add3A_11, %dma_start3A_18] : memref<8192x1024xf32, #tpu.memory_space<hbm>> -> memref<64x1024xf32, #tpu.memory_space<hbm>>
        tpu.enqueue_dma source(%arg6 : memref<64x1024xf32, #tpu.memory_space<vmem>>) target(%dma_start3A_19 : memref<64x1024xf32, #tpu.memory_space<hbm>>) target_semaphore(%run_scoped3A : memref<!tpu.dma_semaphore, #tpu.memory_space<semaphore_mem>>)
        %dma_wait3A_20 = arith.constant 0 : i32
        %dma_wait3A_21 = tpu.memref_slice %arg4[%add3A_11, %dma_wait3A_20] : memref<8192x1024xf32, #tpu.memory_space<hbm>> -> memref<64x1024xf32, #tpu.memory_space<hbm>>
        %dma_wait3A_22 = arith.constant 0 : i32
        %dma_wait3A_23 = tpu.memref_slice %arg4[%add3A_11, %dma_wait3A_22] : memref<8192x1024xf32, #tpu.memory_space<hbm>> -> memref<64x1024xf32, #tpu.memory_space<hbm>>
        tpu.wait_dma2 semaphore(%run_scoped3A : memref<!tpu.dma_semaphore, #tpu.memory_space<semaphore_mem>>) src(%arg6 : memref<64x1024xf32, #tpu.memory_space<vmem>>) dst(%dma_wait3A_23 : memref<64x1024xf32, #tpu.memory_space<hbm>>)
        tpu.yield
      }) : () -> ()
    }
    %scan3A_7 = arith.constant 4 : i32
    return
  }
}

#map = affine_map<(d0, d1) -> (0, 0)>
#map1 = affine_map<(d0, d1) -> (0)>
module attributes {stable_mosaic.version = 14 : i64} {
  func.func @k(%arg0: i32, %arg1: i32, %arg2: memref<4096x1024xf32, #tpu.memory_space<hbm>>, %arg3: memref<8192xi32, #tpu.memory_space<hbm>>, %arg4: memref<12288x1024xf32, #tpu.memory_space<hbm>>, %arg5: memref<32xi32, #tpu.memory_space<vmem>>, %arg6: memref<32xi32, #tpu.memory_space<vmem>>, %arg7: memref<32x1024xf32, #tpu.memory_space<vmem>>, %arg8: memref<!tpu.dma_semaphore, #tpu.memory_space<semaphore_mem>>) attributes {dimension_semantics = [#tpu.dimension_semantics<core_parallel>, #tpu.dimension_semantics<subcore_parallel>], iteration_bounds = array<i64: 2, 16>, scalar_prefetch = 0 : i64, scratch_operands = 4 : i64, tpu.core_type = #tpu.core_type<sc_vector_subcore>, window_params = [{transform_indices = #map}, {transform_indices = #map1}, {transform_indices = #map}]} {
    %mul3A = arith.constant 2 : i32
    %mul3A_0 = arith.muli %arg1, %mul3A : i32
    %add3A = arith.addi %mul3A_0, %arg0 : i32
    %mul3A_1 = arith.constant 128 : i32
    %mul3A_2 = arith.muli %add3A, %mul3A_1 : i32
    %scan3A = arith.constant 0 : i32
    %scan3A_3 = arith.constant 0 : i32
    %scan3A_4 = arith.constant 4 : i32
    %scan3A_5 = arith.addi %scan3A_3, %scan3A_4 : i32
    %scan3A_6 = arith.constant 1 : i32
    scf.for %scan3A_8 = %scan3A_3 to %scan3A_5 step %scan3A_6  : i32 {
      %mul3A_9 = arith.constant 32 : i32
      %mul3A_10 = arith.muli %scan3A_8, %mul3A_9 : i32
      %add3A_11 = arith.addi %mul3A_2, %mul3A_10 : i32
      "tpu.region"() ({
        %run_scoped3A = tpu.sem_alloc : memref<!tpu.dma_semaphore, #tpu.memory_space<semaphore_mem>>
        %dma_start3A_24 = arith.constant 0 : i32
        %dma_start3A_25 = tpu.memref_slice %arg2[%add3A_11, %dma_start3A_24] : memref<4096x1024xf32, #tpu.memory_space<hbm>> -> memref<32x1024xf32, #tpu.memory_space<hbm>>
        %dma_start3A_26 = arith.constant 0 : i32
        %dma_start3A_27 = tpu.memref_slice %arg2[%add3A_11, %dma_start3A_26] : memref<4096x1024xf32, #tpu.memory_space<hbm>> -> memref<32x1024xf32, #tpu.memory_space<hbm>>
        tpu.enqueue_dma source(%dma_start3A_27 : memref<32x1024xf32, #tpu.memory_space<hbm>>) target(%arg7 : memref<32x1024xf32, #tpu.memory_space<vmem>>) target_semaphore(%run_scoped3A : memref<!tpu.dma_semaphore, #tpu.memory_space<semaphore_mem>>)
        %dma_wait3A_28 = arith.constant 0 : i32
        %dma_wait3A_29 = tpu.memref_slice %arg2[%add3A_11, %dma_wait3A_28] : memref<4096x1024xf32, #tpu.memory_space<hbm>> -> memref<32x1024xf32, #tpu.memory_space<hbm>>
        %dma_wait3A_30 = arith.constant 0 : i32
        %dma_wait3A_31 = tpu.memref_slice %arg2[%add3A_11, %dma_wait3A_30] : memref<4096x1024xf32, #tpu.memory_space<hbm>> -> memref<32x1024xf32, #tpu.memory_space<hbm>>
        tpu.wait_dma2 semaphore(%run_scoped3A : memref<!tpu.dma_semaphore, #tpu.memory_space<semaphore_mem>>) src(%dma_wait3A_31 : memref<32x1024xf32, #tpu.memory_space<hbm>>) dst(%arg7 : memref<32x1024xf32, #tpu.memory_space<vmem>>)
        tpu.yield
      }) : () -> ()
      "tpu.region"() ({
        %run_scoped3A = tpu.sem_alloc : memref<!tpu.dma_semaphore, #tpu.memory_space<semaphore_mem>>
        %dma_start3A_24 = tpu.memref_slice %arg3[%add3A_11] : memref<8192xi32, #tpu.memory_space<hbm>> -> memref<32xi32, #tpu.memory_space<hbm>>
        %dma_start3A_25 = tpu.memref_slice %arg3[%add3A_11] : memref<8192xi32, #tpu.memory_space<hbm>> -> memref<32xi32, #tpu.memory_space<hbm>>
        tpu.enqueue_dma source(%dma_start3A_25 : memref<32xi32, #tpu.memory_space<hbm>>) target(%arg5 : memref<32xi32, #tpu.memory_space<vmem>>) target_semaphore(%run_scoped3A : memref<!tpu.dma_semaphore, #tpu.memory_space<semaphore_mem>>)
        %dma_wait3A_26 = tpu.memref_slice %arg3[%add3A_11] : memref<8192xi32, #tpu.memory_space<hbm>> -> memref<32xi32, #tpu.memory_space<hbm>>
        %dma_wait3A_27 = tpu.memref_slice %arg3[%add3A_11] : memref<8192xi32, #tpu.memory_space<hbm>> -> memref<32xi32, #tpu.memory_space<hbm>>
        tpu.wait_dma2 semaphore(%run_scoped3A : memref<!tpu.dma_semaphore, #tpu.memory_space<semaphore_mem>>) src(%dma_wait3A_27 : memref<32xi32, #tpu.memory_space<hbm>>) dst(%arg5 : memref<32xi32, #tpu.memory_space<vmem>>)
        tpu.yield
      }) : () -> ()
      %add3A_12 = arith.constant 4096 : i32
      %add3A_13 = arith.addi %add3A_12, %add3A_11 : i32
      "tpu.region"() ({
        %run_scoped3A = tpu.sem_alloc : memref<!tpu.dma_semaphore, #tpu.memory_space<semaphore_mem>>
        %dma_start3A_24 = tpu.memref_slice %arg3[%add3A_13] : memref<8192xi32, #tpu.memory_space<hbm>> -> memref<32xi32, #tpu.memory_space<hbm>>
        %dma_start3A_25 = tpu.memref_slice %arg3[%add3A_13] : memref<8192xi32, #tpu.memory_space<hbm>> -> memref<32xi32, #tpu.memory_space<hbm>>
        tpu.enqueue_dma source(%dma_start3A_25 : memref<32xi32, #tpu.memory_space<hbm>>) target(%arg6 : memref<32xi32, #tpu.memory_space<vmem>>) target_semaphore(%run_scoped3A : memref<!tpu.dma_semaphore, #tpu.memory_space<semaphore_mem>>)
        %dma_wait3A_26 = tpu.memref_slice %arg3[%add3A_13] : memref<8192xi32, #tpu.memory_space<hbm>> -> memref<32xi32, #tpu.memory_space<hbm>>
        %dma_wait3A_27 = tpu.memref_slice %arg3[%add3A_13] : memref<8192xi32, #tpu.memory_space<hbm>> -> memref<32xi32, #tpu.memory_space<hbm>>
        tpu.wait_dma2 semaphore(%run_scoped3A : memref<!tpu.dma_semaphore, #tpu.memory_space<semaphore_mem>>) src(%dma_wait3A_27 : memref<32xi32, #tpu.memory_space<hbm>>) dst(%arg6 : memref<32xi32, #tpu.memory_space<vmem>>)
        tpu.yield
      }) : () -> ()
      %dma_start3A = arith.constant 0 : i32
      %dma_start3A_14 = arith.constant 0 : i32
      %dma_start3A_15 = tpu.memref_slice %arg4[%dma_start3A, %dma_start3A_14] : memref<12288x1024xf32, #tpu.memory_space<hbm>> -> memref<12288x1024xf32, #tpu.memory_space<hbm>>
      tpu.enqueue_indirect_dma source(%arg7 : memref<32x1024xf32, #tpu.memory_space<vmem>>) target(%dma_start3A_15 : memref<12288x1024xf32, #tpu.memory_space<hbm>>) offsets(%arg5 : memref<32xi32, #tpu.memory_space<vmem>>) semaphore(%arg8 : memref<!tpu.dma_semaphore, #tpu.memory_space<semaphore_mem>>)
      %dma_start3A_16 = arith.constant 0 : i32
      %dma_start3A_17 = arith.constant 0 : i32
      %dma_start3A_18 = tpu.memref_slice %arg4[%dma_start3A_16, %dma_start3A_17] : memref<12288x1024xf32, #tpu.memory_space<hbm>> -> memref<12288x1024xf32, #tpu.memory_space<hbm>>
      tpu.enqueue_indirect_dma source(%arg7 : memref<32x1024xf32, #tpu.memory_space<vmem>>) target(%dma_start3A_18 : memref<12288x1024xf32, #tpu.memory_space<hbm>>) offsets(%arg6 : memref<32xi32, #tpu.memory_space<vmem>>) semaphore(%arg8 : memref<!tpu.dma_semaphore, #tpu.memory_space<semaphore_mem>>)
      %dma_wait3A = arith.constant 0 : i32
      %dma_wait3A_19 = arith.constant 0 : i32
      %dma_wait3A_20 = tpu.memref_slice %arg4[%dma_wait3A, %dma_wait3A_19] : memref<12288x1024xf32, #tpu.memory_space<hbm>> -> memref<12288x1024xf32, #tpu.memory_space<hbm>>
      tpu.wait_indirect_dma semaphore(%arg8 : memref<!tpu.dma_semaphore, #tpu.memory_space<semaphore_mem>>) src(%arg7 : memref<32x1024xf32, #tpu.memory_space<vmem>>) dst(%dma_wait3A_20 : memref<12288x1024xf32, #tpu.memory_space<hbm>>)
      %dma_wait3A_21 = arith.constant 0 : i32
      %dma_wait3A_22 = arith.constant 0 : i32
      %dma_wait3A_23 = tpu.memref_slice %arg4[%dma_wait3A_21, %dma_wait3A_22] : memref<12288x1024xf32, #tpu.memory_space<hbm>> -> memref<12288x1024xf32, #tpu.memory_space<hbm>>
      tpu.wait_indirect_dma semaphore(%arg8 : memref<!tpu.dma_semaphore, #tpu.memory_space<semaphore_mem>>) src(%arg7 : memref<32x1024xf32, #tpu.memory_space<vmem>>) dst(%dma_wait3A_23 : memref<12288x1024xf32, #tpu.memory_space<hbm>>)
    }
    %scan3A_7 = arith.constant 4 : i32
    return
  }
}

module attributes {stable_mosaic.version = 14 : i64} {
  func.func @_gate_body(%arg0: i32, %arg1: memref<512x1024xf32, #tpu.memory_space<vmem>>, %arg2: memref<16x1024xf32, #tpu.memory_space<vmem>>, %arg3: memref<512x2xf32, #tpu.memory_space<vmem>>, %arg4: memref<512x2xi32, #tpu.memory_space<vmem>>, %arg5: memref<512x2xi32, #tpu.memory_space<vmem>>, %arg6: memref<1x1x16xi32, #tpu.memory_space<vmem>>) attributes {dimension_semantics = [#tpu.dimension_semantics<arbitrary>], iteration_bounds = array<i64: 8>, scalar_prefetch = 0 : i64, scratch_operands = 0 : i64, tpu.core_type = #tpu.core_type<tc>, window_params = [{transform_indices = @transform_0, window_bounds = array<i64: 512, 1024>}, {pipeline_mode = #tpu.pipeline_mode<synchronous>, transform_indices = @transform_1, window_bounds = array<i64: 16, 1024>}, {transform_indices = @transform_2, window_bounds = array<i64: 512, 2>}, {transform_indices = @transform_3, window_bounds = array<i64: 512, 2>}, {transform_indices = @transform_4, window_bounds = array<i64: 512, 2>}, {transform_indices = @transform_5, window_bounds = array<i64: 1, 1, 16>}]} {
    %get3A = arith.constant 0 : index
    %get3A_0 = arith.constant 0 : index
    %get3A_1 = vector.load %arg1[%get3A, %get3A_0] : memref<512x1024xf32, #tpu.memory_space<vmem>>, vector<512x1024xf32>
    %get3A_2 = arith.constant 0 : index
    %get3A_3 = arith.constant 0 : index
    %get3A_4 = vector.load %arg2[%get3A_2, %get3A_3] : memref<16x1024xf32, #tpu.memory_space<vmem>>, vector<16x1024xf32>
    %dot_general3A = arith.constant dense<0.000000e+00> : vector<512x16xf32>
    %dot_general3A_5 = tpu.matmul %get3A_1, %get3A_4, %dot_general3A {dimension_numbers = #tpu.dot_dimension_numbers<[1], [1], [0], [0], [0, 0, 1, 0], [], []>, transpose_lhs_hint = false} : vector<512x1024xf32>, vector<16x1024xf32>, vector<512x16xf32> -> vector<512x16xf32>
    %logistic3A = arith.negf %dot_general3A_5 : vector<512x16xf32>
    %logistic3A_6 = math.exp %logistic3A : vector<512x16xf32>
    %logistic3A_7 = arith.constant 1.000000e+00 : f32
    %logistic3A_8 = vector.broadcast %logistic3A_7 : f32 to vector<512x16xf32>
    %logistic3A_9 = arith.addf %logistic3A_8, %logistic3A_6 : vector<512x16xf32>
    %logistic3A_10 = arith.divf %logistic3A_8, %logistic3A_9 : vector<512x16xf32>
    %iota3A = tpu.iota {dimensions = array<i32: 1>} : vector<512x16xi32>
    %reduce_max3A = arith.constant dense<0xFF800000> : vector<512xf32>
    %reduce_max3A_11 = vector.multi_reduction <maximumf>, %logistic3A_10, %reduce_max3A [1] : vector<512x16xf32> to vector<512xf32>
    %broadcast_in_dim3A = vector.shape_cast %reduce_max3A_11 : vector<512xf32> to vector<512x1xf32>
    %ge3A = vector.broadcast %broadcast_in_dim3A : vector<512x1xf32> to vector<512x16xf32>
    %ge3A_12 = arith.cmpf oge, %logistic3A_10, %ge3A : vector<512x16xf32>
    %jit3A = arith.constant 16 : i32
    %broadcast_in_dim3A_13 = vector.broadcast %jit3A : i32 to vector<512x16xi32>
    %select_n3A = arith.select %ge3A_12, %iota3A, %broadcast_in_dim3A_13 : vector<512x16xi1>, vector<512x16xi32>
    %reduce_min3A = arith.constant dense<2147483647> : vector<512xi32>
    %reduce_min3A_14 = vector.multi_reduction <minsi>, %select_n3A, %reduce_min3A [1] : vector<512x16xi32> to vector<512xi32>
    %broadcast_in_dim3A_15 = vector.shape_cast %reduce_min3A_14 : vector<512xi32> to vector<512x1xi32>
    %eq3A = vector.broadcast %broadcast_in_dim3A_15 : vector<512x1xi32> to vector<512x16xi32>
    %eq3A_16 = arith.cmpi eq, %iota3A, %eq3A : vector<512x16xi32>
    %jit3A_17 = arith.constant -1.000000e+00 : f32
    %broadcast_in_dim3A_18 = vector.broadcast %jit3A_17 : f32 to vector<512x16xf32>
    %select_n3A_19 = arith.select %eq3A_16, %broadcast_in_dim3A_18, %logistic3A_10 : vector<512x16xi1>, vector<512x16xf32>
    %reduce_max3A_20 = arith.constant dense<0xFF800000> : vector<512xf32>
    %reduce_max3A_21 = vector.multi_reduction <maximumf>, %select_n3A_19, %reduce_max3A_20 [1] : vector<512x16xf32> to vector<512xf32>
    %broadcast_in_dim3A_22 = vector.shape_cast %reduce_max3A_21 : vector<512xf32> to vector<512x1xf32>
    %ge3A_23 = vector.broadcast %broadcast_in_dim3A_22 : vector<512x1xf32> to vector<512x16xf32>
    %ge3A_24 = arith.cmpf oge, %select_n3A_19, %ge3A_23 : vector<512x16xf32>
    %jit3A_25 = arith.constant 16 : i32
    %broadcast_in_dim3A_26 = vector.broadcast %jit3A_25 : i32 to vector<512x16xi32>
    %select_n3A_27 = arith.select %ge3A_24, %iota3A, %broadcast_in_dim3A_26 : vector<512x16xi1>, vector<512x16xi32>
    %reduce_min3A_28 = arith.constant dense<2147483647> : vector<512xi32>
    %reduce_min3A_29 = vector.multi_reduction <minsi>, %select_n3A_27, %reduce_min3A_28 [1] : vector<512x16xi32> to vector<512xi32>
    %broadcast_in_dim3A_30 = vector.shape_cast %reduce_min3A_29 : vector<512xi32> to vector<512x1xi32>
    %add3A = arith.addf %broadcast_in_dim3A, %broadcast_in_dim3A_22 : vector<512x1xf32>
    %div3A = arith.divf %broadcast_in_dim3A, %add3A : vector<512x1xf32>
    %div3A_31 = arith.divf %broadcast_in_dim3A_22, %add3A : vector<512x1xf32>
    %concatenate3A = tpu.concatenate %div3A, %div3A_31 in 1 : vector<512x1xf32>, vector<512x1xf32> -> vector<512x2xf32>
    %swap3A = arith.constant 0 : index
    %swap3A_32 = arith.constant 0 : index
    %swap3A_33 = vector.load %arg3[%swap3A, %swap3A_32] : memref<512x2xf32, #tpu.memory_space<vmem>>, vector<512x2xf32>
    tpu.vector_store %arg3[%swap3A, %swap3A_32], %concatenate3A {strides = array<i32>} : memref<512x2xf32, #tpu.memory_space<vmem>>, vector<512x2xf32>,
    %concatenate3A_34 = tpu.concatenate %broadcast_in_dim3A_15, %broadcast_in_dim3A_30 in 1 : vector<512x1xi32>, vector<512x1xi32> -> vector<512x2xi32>
    %swap3A_35 = arith.constant 0 : index
    %swap3A_36 = arith.constant 0 : index
    %swap3A_37 = vector.load %arg4[%swap3A_35, %swap3A_36] : memref<512x2xi32, #tpu.memory_space<vmem>>, vector<512x2xi32>
    tpu.vector_store %arg4[%swap3A_35, %swap3A_36], %concatenate3A_34 {strides = array<i32>} : memref<512x2xi32, #tpu.memory_space<vmem>>, vector<512x2xi32>,
    %eq3A_38 = vector.broadcast %broadcast_in_dim3A_15 : vector<512x1xi32> to vector<512x16xi32>
    %eq3A_39 = arith.cmpi eq, %iota3A, %eq3A_38 : vector<512x16xi32>
    %eq3A_40 = vector.broadcast %broadcast_in_dim3A_30 : vector<512x1xi32> to vector<512x16xi32>
    %eq3A_41 = arith.cmpi eq, %iota3A, %eq3A_40 : vector<512x16xi32>
    %or3A = arith.ori %eq3A_39, %eq3A_41 : vector<512x16xi1>
    %convert_element_type3A = arith.extui %or3A : vector<512x16xi1> to vector<512x16xi32>
    %convert_element_type3A_42 = arith.sitofp %convert_element_type3A : vector<512x16xi32> to vector<512x16xf32>
    %iota3A_43 = tpu.iota {dimensions = array<i32: 0>} : vector<512x512xi32>
    %iota3A_44 = tpu.iota {dimensions = array<i32: 1>} : vector<512x512xi32>
    %gt3A = arith.cmpi sgt, %iota3A_43, %iota3A_44 : vector<512x512xi32>
    %convert_element_type3A_45 = arith.extui %gt3A : vector<512x512xi1> to vector<512x512xi32>
    %convert_element_type3A_46 = arith.sitofp %convert_element_type3A_45 : vector<512x512xi32> to vector<512x512xf32>
    %dot_general3A_47 = arith.constant dense<0.000000e+00> : vector<512x16xf32>
    %dot_general3A_48 = tpu.matmul %convert_element_type3A_46, %convert_element_type3A_42, %dot_general3A_47 {dimension_numbers = #tpu.dot_dimension_numbers<[1], [0], [0], [1], [0, 0, 1, 1], [], []>, transpose_lhs_hint = false} : vector<512x512xf32>, vector<512x16xf32>, vector<512x16xf32> -> vector<512x16xf32>
    %eq3A_49 = vector.broadcast %broadcast_in_dim3A_15 : vector<512x1xi32> to vector<512x16xi32>
    %eq3A_50 = arith.cmpi eq, %iota3A, %eq3A_49 : vector<512x16xi32>
    %jit3A_51 = arith.constant 0.000000e+00 : f32
    %broadcast_in_dim3A_52 = vector.broadcast %jit3A_51 : f32 to vector<512x16xf32>
    %select_n3A_53 = arith.select %eq3A_50, %dot_general3A_48, %broadcast_in_dim3A_52 : vector<512x16xi1>, vector<512x16xf32>
    %reduce_sum3A = arith.constant dense<0.000000e+00> : vector<512xf32>
    %reduce_sum3A_54 = vector.multi_reduction <add>, %select_n3A_53, %reduce_sum3A [1] : vector<512x16xf32> to vector<512xf32>
    %broadcast_in_dim3A_55 = vector.shape_cast %reduce_sum3A_54 : vector<512xf32> to vector<512x1xf32>
    %eq3A_56 = vector.broadcast %broadcast_in_dim3A_30 : vector<512x1xi32> to vector<512x16xi32>
    %eq3A_57 = arith.cmpi eq, %iota3A, %eq3A_56 : vector<512x16xi32>
    %jit3A_58 = arith.constant 0.000000e+00 : f32
    %broadcast_in_dim3A_59 = vector.broadcast %jit3A_58 : f32 to vector<512x16xf32>
    %select_n3A_60 = arith.select %eq3A_57, %dot_general3A_48, %broadcast_in_dim3A_59 : vector<512x16xi1>, vector<512x16xf32>
    %reduce_sum3A_61 = arith.constant dense<0.000000e+00> : vector<512xf32>
    %reduce_sum3A_62 = vector.multi_reduction <add>, %select_n3A_60, %reduce_sum3A_61 [1] : vector<512x16xf32> to vector<512xf32>
    %broadcast_in_dim3A_63 = vector.shape_cast %reduce_sum3A_62 : vector<512xf32> to vector<512x1xf32>
    %concatenate3A_64 = tpu.concatenate %broadcast_in_dim3A_55, %broadcast_in_dim3A_63 in 1 : vector<512x1xf32>, vector<512x1xf32> -> vector<512x2xf32>
    %convert_element_type3A_65 = arith.fptosi %concatenate3A_64 : vector<512x2xf32> to vector<512x2xi32>
    %swap3A_66 = arith.constant 0 : index
    %swap3A_67 = arith.constant 0 : index
    %swap3A_68 = vector.load %arg5[%swap3A_66, %swap3A_67] : memref<512x2xi32, #tpu.memory_space<vmem>>, vector<512x2xi32>
    tpu.vector_store %arg5[%swap3A_66, %swap3A_67], %convert_element_type3A_65 {strides = array<i32>} : memref<512x2xi32, #tpu.memory_space<vmem>>, vector<512x2xi32>,
    %reduce_sum3A_69 = arith.constant dense<0.000000e+00> : vector<16xf32>
    %reduce_sum3A_70 = vector.multi_reduction <add>, %convert_element_type3A_42, %reduce_sum3A_69 [0] : vector<512x16xf32> to vector<16xf32>
    %convert_element_type3A_71 = arith.fptosi %reduce_sum3A_70 : vector<16xf32> to vector<16xi32>
    %reshape3A = vector.shape_cast %convert_element_type3A_71 : vector<16xi32> to vector<1x1x16xi32>
    %swap3A_72 = arith.constant 0 : index
    %swap3A_73 = arith.constant 0 : index
    %swap3A_74 = arith.constant 0 : index
    %swap3A_75 = vector.load %arg6[%swap3A_72, %swap3A_73, %swap3A_74] : memref<1x1x16xi32, #tpu.memory_space<vmem>>, vector<1x1x16xi32>
    tpu.vector_store %arg6[%swap3A_72, %swap3A_73, %swap3A_74], %reshape3A {strides = array<i32>} : memref<1x1x16xi32, #tpu.memory_space<vmem>>, vector<1x1x16xi32>,
    return
  }
  func.func @transform_0(%arg0: i32) -> (i32, i32) {
    %c0_i32 = arith.constant 0 : i32
    %c0_i32_0 = arith.constant 0 : i32
    return %arg0, %c0_i32 : i32, i32
  }
  func.func @transform_1(%arg0: i32) -> (i32, i32) {
    %c0_i32 = arith.constant 0 : i32
    %c0_i32_0 = arith.constant 0 : i32
    %c0_i32_1 = arith.constant 0 : i32
    return %c0_i32, %c0_i32_0 : i32, i32
  }
  func.func @transform_2(%arg0: i32) -> (i32, i32) {
    %c0_i32 = arith.constant 0 : i32
    %c0_i32_0 = arith.constant 0 : i32
    return %arg0, %c0_i32 : i32, i32
  }
  func.func @transform_3(%arg0: i32) -> (i32, i32) {
    %c0_i32 = arith.constant 0 : i32
    %c0_i32_0 = arith.constant 0 : i32
    return %arg0, %c0_i32 : i32, i32
  }
  func.func @transform_4(%arg0: i32) -> (i32, i32) {
    %c0_i32 = arith.constant 0 : i32
    %c0_i32_0 = arith.constant 0 : i32
    return %arg0, %c0_i32 : i32, i32
  }
  func.func @transform_5(%arg0: i32) -> (i32, i32, i32) {
    %c0_i32 = arith.constant 0 : i32
    %c0_i32_0 = arith.constant 0 : i32
    %c0_i32_1 = arith.constant 0 : i32
    return %arg0, %c0_i32, %c0_i32_0 : i32, i32, i32
  }
}

module attributes {stable_mosaic.version = 14 : i64} {
  func.func @_dst_body(%arg0: i32, %arg1: memref<512x2xi32, #tpu.memory_space<vmem>>, %arg2: memref<512x2xi32, #tpu.memory_space<vmem>>, %arg3: memref<1x1x16xi32, #tpu.memory_space<vmem>>, %arg4: memref<1x16xi32, #tpu.memory_space<vmem>>, %arg5: memref<512x1xi32, #tpu.memory_space<vmem>>, %arg6: memref<512x1xi32, #tpu.memory_space<vmem>>) attributes {dimension_semantics = [#tpu.dimension_semantics<arbitrary>], iteration_bounds = array<i64: 8>, scalar_prefetch = 0 : i64, scratch_operands = 0 : i64, tpu.core_type = #tpu.core_type<tc>, window_params = [{transform_indices = @transform_0, window_bounds = array<i64: 512, 2>}, {transform_indices = @transform_1, window_bounds = array<i64: 512, 2>}, {transform_indices = @transform_2, window_bounds = array<i64: 1, 1, 16>}, {pipeline_mode = #tpu.pipeline_mode<synchronous>, transform_indices = @transform_3, window_bounds = array<i64: 1, 16>}, {transform_indices = @transform_4, window_bounds = array<i64: 512, 1>}, {transform_indices = @transform_5, window_bounds = array<i64: 512, 1>}]} {
    %get3A = arith.constant 0 : index
    %get3A_0 = arith.constant 0 : index
    %get3A_1 = vector.load %arg1[%get3A, %get3A_0] : memref<512x2xi32, #tpu.memory_space<vmem>>, vector<512x2xi32>
    %get3A_2 = arith.constant 0 : index
    %get3A_3 = arith.constant 0 : index
    %get3A_4 = vector.load %arg2[%get3A_2, %get3A_3] : memref<512x2xi32, #tpu.memory_space<vmem>>, vector<512x2xi32>
    %get3A_5 = arith.constant 0 : index
    %get3A_6 = arith.constant 0 : index
    %get3A_7 = arith.constant 0 : index
    %get3A_8 = vector.load %arg3[%get3A_5, %get3A_6, %get3A_7] : memref<1x1x16xi32, #tpu.memory_space<vmem>>, vector<1x1x16xi32>
    %get3A_9 = vector.shape_cast %get3A_8 : vector<1x1x16xi32> to vector<1x16xi32>
    %get3A_10 = arith.constant 0 : index
    %get3A_11 = arith.constant 0 : index
    %get3A_12 = vector.load %arg4[%get3A_10, %get3A_11] : memref<1x16xi32, #tpu.memory_space<vmem>>, vector<1x16xi32>
    %slice3A = vector.extract_strided_slice %get3A_1 {offsets = [0, 0], sizes = [512, 1], strides = [1, 1]} : vector<512x2xi32> to vector<512x1xi32>
    %iota3A = tpu.iota {dimensions = array<i32: 1>} : vector<512x16xi32>
    %eq3A = vector.broadcast %slice3A : vector<512x1xi32> to vector<512x16xi32>
    %eq3A_13 = arith.cmpi eq, %iota3A, %eq3A : vector<512x16xi32>
    %jit3A = arith.constant 0 : i32
    %broadcast_in_dim3A = vector.shape_cast %get3A_12 : vector<1x16xi32> to vector<1x16xi32>
    %broadcast_in_dim3A_14 = vector.broadcast %broadcast_in_dim3A : vector<1x16xi32> to vector<512x16xi32>
    %broadcast_in_dim3A_15 = vector.broadcast %jit3A : i32 to vector<512x16xi32>
    %select_n3A = arith.select %eq3A_13, %broadcast_in_dim3A_14, %broadcast_in_dim3A_15 : vector<512x16xi1>, vector<512x16xi32>
    %reduce_sum3A = arith.constant dense<0> : vector<512xi32>
    %reduce_sum3A_16 = vector.multi_reduction <add>, %select_n3A, %reduce_sum3A [1] : vector<512x16xi32> to vector<512xi32>
    %broadcast_in_dim3A_17 = vector.shape_cast %reduce_sum3A_16 : vector<512xi32> to vector<512x1xi32>
    %slice3A_18 = vector.extract_strided_slice %get3A_1 {offsets = [0, 0], sizes = [512, 1], strides = [1, 1]} : vector<512x2xi32> to vector<512x1xi32>
    %iota3A_19 = tpu.iota {dimensions = array<i32: 1>} : vector<512x16xi32>
    %eq3A_20 = vector.broadcast %slice3A_18 : vector<512x1xi32> to vector<512x16xi32>
    %eq3A_21 = arith.cmpi eq, %iota3A_19, %eq3A_20 : vector<512x16xi32>
    %jit3A_22 = arith.constant 0 : i32
    %broadcast_in_dim3A_23 = vector.shape_cast %get3A_9 : vector<1x16xi32> to vector<1x16xi32>
    %broadcast_in_dim3A_24 = vector.broadcast %broadcast_in_dim3A_23 : vector<1x16xi32> to vector<512x16xi32>
    %broadcast_in_dim3A_25 = vector.broadcast %jit3A_22 : i32 to vector<512x16xi32>
    %select_n3A_26 = arith.select %eq3A_21, %broadcast_in_dim3A_24, %broadcast_in_dim3A_25 : vector<512x16xi1>, vector<512x16xi32>
    %reduce_sum3A_27 = arith.constant dense<0> : vector<512xi32>
    %reduce_sum3A_28 = vector.multi_reduction <add>, %select_n3A_26, %reduce_sum3A_27 [1] : vector<512x16xi32> to vector<512xi32>
    %broadcast_in_dim3A_29 = vector.shape_cast %reduce_sum3A_28 : vector<512xi32> to vector<512x1xi32>
    %add3A = arith.addi %broadcast_in_dim3A_17, %broadcast_in_dim3A_29 : vector<512x1xi32>
    %slice3A_30 = vector.extract_strided_slice %get3A_4 {offsets = [0, 0], sizes = [512, 1], strides = [1, 1]} : vector<512x2xi32> to vector<512x1xi32>
    %add3A_31 = arith.addi %add3A, %slice3A_30 : vector<512x1xi32>
    %swap3A = arith.constant 0 : index
    %swap3A_32 = arith.constant 0 : index
    %swap3A_33 = vector.load %arg5[%swap3A, %swap3A_32] : memref<512x1xi32, #tpu.memory_space<vmem>>, vector<512x1xi32>
    tpu.vector_store %arg5[%swap3A, %swap3A_32], %add3A_31 {strides = array<i32>} : memref<512x1xi32, #tpu.memory_space<vmem>>, vector<512x1xi32>,
    %slice3A_34 = vector.extract_strided_slice %get3A_1 {offsets = [0, 1], sizes = [512, 1], strides = [1, 1]} : vector<512x2xi32> to vector<512x1xi32>
    %iota3A_35 = tpu.iota {dimensions = array<i32: 1>} : vector<512x16xi32>
    %eq3A_36 = vector.broadcast %slice3A_34 : vector<512x1xi32> to vector<512x16xi32>
    %eq3A_37 = arith.cmpi eq, %iota3A_35, %eq3A_36 : vector<512x16xi32>
    %jit3A_38 = arith.constant 0 : i32
    %broadcast_in_dim3A_39 = vector.shape_cast %get3A_12 : vector<1x16xi32> to vector<1x16xi32>
    %broadcast_in_dim3A_40 = vector.broadcast %broadcast_in_dim3A_39 : vector<1x16xi32> to vector<512x16xi32>
    %broadcast_in_dim3A_41 = vector.broadcast %jit3A_38 : i32 to vector<512x16xi32>
    %select_n3A_42 = arith.select %eq3A_37, %broadcast_in_dim3A_40, %broadcast_in_dim3A_41 : vector<512x16xi1>, vector<512x16xi32>
    %reduce_sum3A_43 = arith.constant dense<0> : vector<512xi32>
    %reduce_sum3A_44 = vector.multi_reduction <add>, %select_n3A_42, %reduce_sum3A_43 [1] : vector<512x16xi32> to vector<512xi32>
    %broadcast_in_dim3A_45 = vector.shape_cast %reduce_sum3A_44 : vector<512xi32> to vector<512x1xi32>
    %slice3A_46 = vector.extract_strided_slice %get3A_1 {offsets = [0, 1], sizes = [512, 1], strides = [1, 1]} : vector<512x2xi32> to vector<512x1xi32>
    %iota3A_47 = tpu.iota {dimensions = array<i32: 1>} : vector<512x16xi32>
    %eq3A_48 = vector.broadcast %slice3A_46 : vector<512x1xi32> to vector<512x16xi32>
    %eq3A_49 = arith.cmpi eq, %iota3A_47, %eq3A_48 : vector<512x16xi32>
    %jit3A_50 = arith.constant 0 : i32
    %broadcast_in_dim3A_51 = vector.shape_cast %get3A_9 : vector<1x16xi32> to vector<1x16xi32>
    %broadcast_in_dim3A_52 = vector.broadcast %broadcast_in_dim3A_51 : vector<1x16xi32> to vector<512x16xi32>
    %broadcast_in_dim3A_53 = vector.broadcast %jit3A_50 : i32 to vector<512x16xi32>
    %select_n3A_54 = arith.select %eq3A_49, %broadcast_in_dim3A_52, %broadcast_in_dim3A_53 : vector<512x16xi1>, vector<512x16xi32>
    %reduce_sum3A_55 = arith.constant dense<0> : vector<512xi32>
    %reduce_sum3A_56 = vector.multi_reduction <add>, %select_n3A_54, %reduce_sum3A_55 [1] : vector<512x16xi32> to vector<512xi32>
    %broadcast_in_dim3A_57 = vector.shape_cast %reduce_sum3A_56 : vector<512xi32> to vector<512x1xi32>
    %add3A_58 = arith.addi %broadcast_in_dim3A_45, %broadcast_in_dim3A_57 : vector<512x1xi32>
    %slice3A_59 = vector.extract_strided_slice %get3A_4 {offsets = [0, 1], sizes = [512, 1], strides = [1, 1]} : vector<512x2xi32> to vector<512x1xi32>
    %add3A_60 = arith.addi %add3A_58, %slice3A_59 : vector<512x1xi32>
    %swap3A_61 = arith.constant 0 : index
    %swap3A_62 = arith.constant 0 : index
    %swap3A_63 = vector.load %arg6[%swap3A_61, %swap3A_62] : memref<512x1xi32, #tpu.memory_space<vmem>>, vector<512x1xi32>
    tpu.vector_store %arg6[%swap3A_61, %swap3A_62], %add3A_60 {strides = array<i32>} : memref<512x1xi32, #tpu.memory_space<vmem>>, vector<512x1xi32>,
    return
  }
  func.func @transform_0(%arg0: i32) -> (i32, i32) {
    %c0_i32 = arith.constant 0 : i32
    %c0_i32_0 = arith.constant 0 : i32
    return %arg0, %c0_i32 : i32, i32
  }
  func.func @transform_1(%arg0: i32) -> (i32, i32) {
    %c0_i32 = arith.constant 0 : i32
    %c0_i32_0 = arith.constant 0 : i32
    return %arg0, %c0_i32 : i32, i32
  }
  func.func @transform_2(%arg0: i32) -> (i32, i32, i32) {
    %c0_i32 = arith.constant 0 : i32
    %c0_i32_0 = arith.constant 0 : i32
    %c0_i32_1 = arith.constant 0 : i32
    return %arg0, %c0_i32, %c0_i32_0 : i32, i32, i32
  }
  func.func @transform_3(%arg0: i32) -> (i32, i32) {
    %c0_i32 = arith.constant 0 : i32
    %c0_i32_0 = arith.constant 0 : i32
    %c0_i32_1 = arith.constant 0 : i32
    return %c0_i32, %c0_i32_0 : i32, i32
  }
  func.func @transform_4(%arg0: i32) -> (i32, i32) {
    %c0_i32 = arith.constant 0 : i32
    %c0_i32_0 = arith.constant 0 : i32
    return %arg0, %c0_i32 : i32, i32
  }
  func.func @transform_5(%arg0: i32) -> (i32, i32) {
    %c0_i32 = arith.constant 0 : i32
    %c0_i32_0 = arith.constant 0 : i32
    return %arg0, %c0_i32 : i32, i32
  }
}

module attributes {stable_mosaic.version = 14 : i64} {
  func.func @_ffn_body(%arg0: i32, %arg1: memref<48xi32, #tpu.memory_space<smem>>, %arg2: memref<48xi32, #tpu.memory_space<smem>>, %arg3: memref<256x1024xf32, #tpu.memory_space<vmem>>, %arg4: memref<1x1024x1024xbf16, #tpu.memory_space<vmem>>, %arg5: memref<1x1024x512xbf16, #tpu.memory_space<vmem>>, %arg6: memref<256x1024xf32, #tpu.memory_space<vmem>>) attributes {dimension_semantics = [#tpu.dimension_semantics<arbitrary>], iteration_bounds = array<i64: 48>, scalar_prefetch = 2 : i64, scratch_operands = 0 : i64, tpu.core_type = #tpu.core_type<tc>, window_params = [{transform_indices = @transform_0, window_bounds = array<i64: 256, 1024>}, {transform_indices = @transform_1, window_bounds = array<i64: 1, 1024, 1024>}, {transform_indices = @transform_2, window_bounds = array<i64: 1, 1024, 512>}, {transform_indices = @transform_3, window_bounds = array<i64: 256, 1024>}]} {
    %get3A = arith.index_cast %arg0 : i32 to index
    %get3A_0 = memref.load %arg2[%get3A] : memref<48xi32, #tpu.memory_space<smem>>
    %gt3A = arith.constant 0 : i32
    %gt3A_1 = arith.cmpi sgt, %get3A_0, %gt3A : i32
    %convert_element_type3A = arith.extui %gt3A_1 : i1 to i32
    %cond3A = arith.constant 0 : i32
    %cond3A_2 = arith.cmpi ne, %convert_element_type3A, %cond3A : i32
    scf.if %cond3A_2 {
      %get3A_3 = arith.constant 0 : index
      %get3A_4 = arith.constant 0 : index
      %get3A_5 = vector.load %arg3[%get3A_3, %get3A_4] : memref<256x1024xf32, #tpu.memory_space<vmem>>, vector<256x1024xf32>
      %convert_element_type3A_6 = arith.truncf %get3A_5 : vector<256x1024xf32> to vector<256x1024xbf16>
      %get3A_7 = arith.constant 0 : index
      %get3A_8 = arith.constant 0 : index
      %get3A_9 = arith.constant 0 : index
      %get3A_10 = vector.load %arg4[%get3A_7, %get3A_8, %get3A_9] : memref<1x1024x1024xbf16, #tpu.memory_space<vmem>>, vector<1x1024x1024xbf16>
      %get3A_11 = vector.shape_cast %get3A_10 : vector<1x1024x1024xbf16> to vector<1024x1024xbf16>
      %dot_general3A = arith.constant dense<0.000000e+00> : vector<256x1024xf32>
      %dot_general3A_12 = tpu.matmul %convert_element_type3A_6, %get3A_11, %dot_general3A {dimension_numbers = #tpu.dot_dimension_numbers<[1], [1], [0], [0], [0, 0, 1, 0], [], []>, transpose_lhs_hint = false} : vector<256x1024xbf16>, vector<1024x1024xbf16>, vector<256x1024xf32> -> vector<256x1024xf32>
      %slice3A = vector.extract_strided_slice %dot_general3A_12 {offsets = [0, 0], sizes = [256, 512], strides = [1, 1]} : vector<256x1024xf32> to vector<256x512xf32>
      %slice3A_13 = vector.extract_strided_slice %dot_general3A_12 {offsets = [0, 512], sizes = [256, 512], strides = [1, 1]} : vector<256x1024xf32> to vector<256x512xf32>
      %logistic3A = arith.negf %slice3A_13 : vector<256x512xf32>
      %logistic3A_14 = math.exp %logistic3A : vector<256x512xf32>
      %logistic3A_15 = arith.constant 1.000000e+00 : f32
      %logistic3A_16 = vector.broadcast %logistic3A_15 : f32 to vector<256x512xf32>
      %logistic3A_17 = arith.addf %logistic3A_16, %logistic3A_14 : vector<256x512xf32>
      %logistic3A_18 = arith.divf %logistic3A_16, %logistic3A_17 : vector<256x512xf32>
      %mul3A = arith.mulf %slice3A_13, %logistic3A_18 : vector<256x512xf32>
      %mul3A_19 = arith.mulf %slice3A, %mul3A : vector<256x512xf32>
      %convert_element_type3A_20 = arith.truncf %mul3A_19 : vector<256x512xf32> to vector<256x512xbf16>
      %get3A_21 = arith.constant 0 : index
      %get3A_22 = arith.constant 0 : index
      %get3A_23 = arith.constant 0 : index
      %get3A_24 = vector.load %arg5[%get3A_21, %get3A_22, %get3A_23] : memref<1x1024x512xbf16, #tpu.memory_space<vmem>>, vector<1x1024x512xbf16>
      %get3A_25 = vector.shape_cast %get3A_24 : vector<1x1024x512xbf16> to vector<1024x512xbf16>
      %dot_general3A_26 = arith.constant dense<0.000000e+00> : vector<256x1024xf32>
      %dot_general3A_27 = tpu.matmul %convert_element_type3A_20, %get3A_25, %dot_general3A_26 {dimension_numbers = #tpu.dot_dimension_numbers<[1], [1], [0], [0], [0, 0, 1, 0], [], []>, transpose_lhs_hint = false} : vector<256x512xbf16>, vector<1024x512xbf16>, vector<256x1024xf32> -> vector<256x1024xf32>
      %swap3A = arith.constant 0 : index
      %swap3A_28 = arith.constant 0 : index
      %swap3A_29 = vector.load %arg6[%swap3A, %swap3A_28] : memref<256x1024xf32, #tpu.memory_space<vmem>>, vector<256x1024xf32>
      tpu.vector_store %arg6[%swap3A, %swap3A_28], %dot_general3A_27 {strides = array<i32>} : memref<256x1024xf32, #tpu.memory_space<vmem>>, vector<256x1024xf32>,
    } else {
    }
    return
  }
  func.func @transform_0(%arg0: i32, %arg1: memref<48xi32, #tpu.memory_space<smem>>, %arg2: memref<48xi32, #tpu.memory_space<smem>>) -> (i32, i32) {
    %c0_i32 = arith.constant 0 : i32
    %c0_i32_0 = arith.constant 0 : i32
    return %arg0, %c0_i32 : i32, i32
  }
  func.func @transform_1(%arg0: i32, %arg1: memref<48xi32, #tpu.memory_space<smem>>, %arg2: memref<48xi32, #tpu.memory_space<smem>>) -> (i32, i32, i32) {
    %get3A = arith.index_cast %arg0 : i32 to index
    %get3A_0 = memref.load %arg1[%get3A] : memref<48xi32, #tpu.memory_space<smem>>
    %c0_i32 = arith.constant 0 : i32
    %c0_i32_1 = arith.constant 0 : i32
    %c0_i32_2 = arith.constant 0 : i32
    return %get3A_0, %c0_i32, %c0_i32_1 : i32, i32, i32
  }
  func.func @transform_2(%arg0: i32, %arg1: memref<48xi32, #tpu.memory_space<smem>>, %arg2: memref<48xi32, #tpu.memory_space<smem>>) -> (i32, i32, i32) {
    %get3A = arith.index_cast %arg0 : i32 to index
    %get3A_0 = memref.load %arg1[%get3A] : memref<48xi32, #tpu.memory_space<smem>>
    %c0_i32 = arith.constant 0 : i32
    %c0_i32_1 = arith.constant 0 : i32
    %c0_i32_2 = arith.constant 0 : i32
    return %get3A_0, %c0_i32, %c0_i32_1 : i32, i32, i32
  }
  func.func @transform_3(%arg0: i32, %arg1: memref<48xi32, #tpu.memory_space<smem>>, %arg2: memref<48xi32, #tpu.memory_space<smem>>) -> (i32, i32) {
    %c0_i32 = arith.constant 0 : i32
    %c0_i32_0 = arith.constant 0 : i32
    return %arg0, %c0_i32 : i32, i32
  }
}

module attributes {stable_mosaic.version = 14 : i64} {
  func.func @_shared_body(%arg0: i32, %arg1: memref<256x1024xf32, #tpu.memory_space<vmem>>, %arg2: memref<2048x1024xf32, #tpu.memory_space<vmem>>, %arg3: memref<1024x1024xf32, #tpu.memory_space<vmem>>, %arg4: memref<256x1024xf32, #tpu.memory_space<vmem>>) attributes {dimension_semantics = [#tpu.dimension_semantics<arbitrary>], iteration_bounds = array<i64: 16>, scalar_prefetch = 0 : i64, scratch_operands = 0 : i64, tpu.core_type = #tpu.core_type<tc>, window_params = [{transform_indices = @transform_0, window_bounds = array<i64: 256, 1024>}, {pipeline_mode = #tpu.pipeline_mode<synchronous>, transform_indices = @transform_1, window_bounds = array<i64: 2048, 1024>}, {pipeline_mode = #tpu.pipeline_mode<synchronous>, transform_indices = @transform_2, window_bounds = array<i64: 1024, 1024>}, {transform_indices = @transform_3, window_bounds = array<i64: 256, 1024>}]} {
    %get3A = arith.constant 0 : index
    %get3A_0 = arith.constant 0 : index
    %get3A_1 = vector.load %arg1[%get3A, %get3A_0] : memref<256x1024xf32, #tpu.memory_space<vmem>>, vector<256x1024xf32>
    %get3A_2 = arith.constant 0 : index
    %get3A_3 = arith.constant 0 : index
    %get3A_4 = vector.load %arg2[%get3A_2, %get3A_3] : memref<2048x1024xf32, #tpu.memory_space<vmem>>, vector<2048x1024xf32>
    %dot_general3A = arith.constant dense<0.000000e+00> : vector<256x2048xf32>
    %dot_general3A_5 = tpu.matmul %get3A_1, %get3A_4, %dot_general3A {dimension_numbers = #tpu.dot_dimension_numbers<[1], [1], [0], [0], [0, 0, 1, 0], [], []>, transpose_lhs_hint = false} : vector<256x1024xf32>, vector<2048x1024xf32>, vector<256x2048xf32> -> vector<256x2048xf32>
    %slice3A = vector.extract_strided_slice %dot_general3A_5 {offsets = [0, 0], sizes = [256, 1024], strides = [1, 1]} : vector<256x2048xf32> to vector<256x1024xf32>
    %slice3A_6 = vector.extract_strided_slice %dot_general3A_5 {offsets = [0, 1024], sizes = [256, 1024], strides = [1, 1]} : vector<256x2048xf32> to vector<256x1024xf32>
    %logistic3A = arith.negf %slice3A_6 : vector<256x1024xf32>
    %logistic3A_7 = math.exp %logistic3A : vector<256x1024xf32>
    %logistic3A_8 = arith.constant 1.000000e+00 : f32
    %logistic3A_9 = vector.broadcast %logistic3A_8 : f32 to vector<256x1024xf32>
    %logistic3A_10 = arith.addf %logistic3A_9, %logistic3A_7 : vector<256x1024xf32>
    %logistic3A_11 = arith.divf %logistic3A_9, %logistic3A_10 : vector<256x1024xf32>
    %mul3A = arith.mulf %slice3A_6, %logistic3A_11 : vector<256x1024xf32>
    %mul3A_12 = arith.mulf %slice3A, %mul3A : vector<256x1024xf32>
    %get3A_13 = arith.constant 0 : index
    %get3A_14 = arith.constant 0 : index
    %get3A_15 = vector.load %arg3[%get3A_13, %get3A_14] : memref<1024x1024xf32, #tpu.memory_space<vmem>>, vector<1024x1024xf32>
    %dot_general3A_16 = arith.constant dense<0.000000e+00> : vector<256x1024xf32>
    %dot_general3A_17 = tpu.matmul %mul3A_12, %get3A_15, %dot_general3A_16 {dimension_numbers = #tpu.dot_dimension_numbers<[1], [1], [0], [0], [0, 0, 1, 0], [], []>, transpose_lhs_hint = false} : vector<256x1024xf32>, vector<1024x1024xf32>, vector<256x1024xf32> -> vector<256x1024xf32>
    %swap3A = arith.constant 0 : index
    %swap3A_18 = arith.constant 0 : index
    %swap3A_19 = vector.load %arg4[%swap3A, %swap3A_18] : memref<256x1024xf32, #tpu.memory_space<vmem>>, vector<256x1024xf32>
    tpu.vector_store %arg4[%swap3A, %swap3A_18], %dot_general3A_17 {strides = array<i32>} : memref<256x1024xf32, #tpu.memory_space<vmem>>, vector<256x1024xf32>,
    return
  }
  func.func @transform_0(%arg0: i32) -> (i32, i32) {
    %c0_i32 = arith.constant 0 : i32
    %c0_i32_0 = arith.constant 0 : i32
    return %arg0, %c0_i32 : i32, i32
  }
  func.func @transform_1(%arg0: i32) -> (i32, i32) {
    %c0_i32 = arith.constant 0 : i32
    %c0_i32_0 = arith.constant 0 : i32
    %c0_i32_1 = arith.constant 0 : i32
    return %c0_i32, %c0_i32_0 : i32, i32
  }
  func.func @transform_2(%arg0: i32) -> (i32, i32) {
    %c0_i32 = arith.constant 0 : i32
    %c0_i32_0 = arith.constant 0 : i32
    %c0_i32_1 = arith.constant 0 : i32
    return %c0_i32, %c0_i32_0 : i32, i32
  }
  func.func @transform_3(%arg0: i32) -> (i32, i32) {
    %c0_i32 = arith.constant 0 : i32
    %c0_i32_0 = arith.constant 0 : i32
    return %arg0, %c0_i32 : i32, i32
  }
}

module attributes {stable_mosaic.version = 14 : i64} {
  func.func @_combine_body(%arg0: i32, %arg1: memref<512x1024xf32, #tpu.memory_space<vmem>>, %arg2: memref<512x1024xf32, #tpu.memory_space<vmem>>, %arg3: memref<512x1024xf32, #tpu.memory_space<vmem>>, %arg4: memref<512x2xf32, #tpu.memory_space<vmem>>, %arg5: memref<512x1024xf32, #tpu.memory_space<vmem>>) attributes {dimension_semantics = [#tpu.dimension_semantics<arbitrary>], iteration_bounds = array<i64: 8>, scalar_prefetch = 0 : i64, scratch_operands = 0 : i64, tpu.core_type = #tpu.core_type<tc>, window_params = [{transform_indices = @transform_0, window_bounds = array<i64: 512, 1024>}, {transform_indices = @transform_1, window_bounds = array<i64: 512, 1024>}, {transform_indices = @transform_2, window_bounds = array<i64: 512, 1024>}, {transform_indices = @transform_3, window_bounds = array<i64: 512, 2>}, {transform_indices = @transform_4, window_bounds = array<i64: 512, 1024>}]} {
    %get3A = arith.constant 0 : index
    %get3A_0 = arith.constant 0 : index
    %get3A_1 = vector.load %arg4[%get3A, %get3A_0] : memref<512x2xf32, #tpu.memory_space<vmem>>, vector<512x2xf32>
    %get3A_2 = arith.constant 0 : index
    %get3A_3 = arith.constant 0 : index
    %get3A_4 = vector.load %arg1[%get3A_2, %get3A_3] : memref<512x1024xf32, #tpu.memory_space<vmem>>, vector<512x1024xf32>
    %slice3A = vector.extract_strided_slice %get3A_1 {offsets = [0, 0], sizes = [512, 1], strides = [1, 1]} : vector<512x2xf32> to vector<512x1xf32>
    %get3A_5 = arith.constant 0 : index
    %get3A_6 = arith.constant 0 : index
    %get3A_7 = vector.load %arg2[%get3A_5, %get3A_6] : memref<512x1024xf32, #tpu.memory_space<vmem>>, vector<512x1024xf32>
    %mul3A = vector.broadcast %slice3A : vector<512x1xf32> to vector<512x1024xf32>
    %mul3A_8 = arith.mulf %mul3A, %get3A_7 : vector<512x1024xf32>
    %add3A = arith.addf %get3A_4, %mul3A_8 : vector<512x1024xf32>
    %slice3A_9 = vector.extract_strided_slice %get3A_1 {offsets = [0, 1], sizes = [512, 1], strides = [1, 1]} : vector<512x2xf32> to vector<512x1xf32>
    %get3A_10 = arith.constant 0 : index
    %get3A_11 = arith.constant 0 : index
    %get3A_12 = vector.load %arg3[%get3A_10, %get3A_11] : memref<512x1024xf32, #tpu.memory_space<vmem>>, vector<512x1024xf32>
    %mul3A_13 = vector.broadcast %slice3A_9 : vector<512x1xf32> to vector<512x1024xf32>
    %mul3A_14 = arith.mulf %mul3A_13, %get3A_12 : vector<512x1024xf32>
    %add3A_15 = arith.addf %add3A, %mul3A_14 : vector<512x1024xf32>
    %swap3A = arith.constant 0 : index
    %swap3A_16 = arith.constant 0 : index
    %swap3A_17 = vector.load %arg5[%swap3A, %swap3A_16] : memref<512x1024xf32, #tpu.memory_space<vmem>>, vector<512x1024xf32>
    tpu.vector_store %arg5[%swap3A, %swap3A_16], %add3A_15 {strides = array<i32>} : memref<512x1024xf32, #tpu.memory_space<vmem>>, vector<512x1024xf32>,
    return
  }
  func.func @transform_0(%arg0: i32) -> (i32, i32) {
    %c0_i32 = arith.constant 0 : i32
    %c0_i32_0 = arith.constant 0 : i32
    return %arg0, %c0_i32 : i32, i32
  }
  func.func @transform_1(%arg0: i32) -> (i32, i32) {
    %c0_i32 = arith.constant 0 : i32
    %c0_i32_0 = arith.constant 0 : i32
    return %arg0, %c0_i32 : i32, i32
  }
  func.func @transform_2(%arg0: i32) -> (i32, i32) {
    %add3A = arith.constant 8 : i32
    %add3A_0 = arith.addi %arg0, %add3A : i32
    %c0_i32 = arith.constant 0 : i32
    %c0_i32_1 = arith.constant 0 : i32
    return %add3A_0, %c0_i32 : i32, i32
  }
  func.func @transform_3(%arg0: i32) -> (i32, i32) {
    %c0_i32 = arith.constant 0 : i32
    %c0_i32_0 = arith.constant 0 : i32
    return %arg0, %c0_i32 : i32, i32
  }
  func.func @transform_4(%arg0: i32) -> (i32, i32) {
    %c0_i32 = arith.constant 0 : i32
    %c0_i32_0 = arith.constant 0 : i32
    return %arg0, %c0_i32 : i32, i32
  }
}

</mosaic_0001>

<sc_bundles>
// kernel: kernel.12.cloned.1.call-start
scs
__scs_entry_jumppad:
0x0: {  	(pc) =	sbr.rel $0x88, $3  }
0x1: {  	(tag) =	ssettag $0x0;
	lr =	simm.s32 $0x1  }
0x2: {  	[smem:$0x3F9B] =	sst lr;
	_ =	strace $0xD0000000  }
0x3: {  	_ = 	snop  }
0x4: {  	_ = 	snop  }
0x5: {  	_ = 	snop  }
0x6: {  	_ = 	snop  }
0x7: {  	_ = 	snop  }
__scs_overlays_trampoline_lowered:
0x8: {  	[smem:$0x3FAA] =	sst s0  }
0x9: {  	[smem:$0x3FAB] =	sst s1  }
0xa: {  	[smem:$0x3FAC] =	sst s2  }
0xb: {  	[smem:$0x3FAD] =	sst s3  }
0xc: {  	[smem:$0x3FAE] =	sst s4  }
0xd: {  	[smem:$0x3FAF] =	sst s5  }
0xe: {  	[smem:$0x3FB0] =	sst s6  }
0xf: {  	[smem:$0x3FB1] =	sst s7  }
0x10: {  	[smem:$0x3FB2] =	sst s8  }
0x11: {  	[smem:$0x3FB3] =	sst s9;
	s0 =	simm.s32 @!p0 $0x0  }
0x12: {  	s1 =	sld [smem:$0x3F99];
	s0 =	simm.s32 @p0 $0x1  }
0x13: {  	[smem:$0x3FB4] =	sst s0;
	s0 =	simm.s32 @!p1 $0x0  }
0x14: {  	s2 =	sld [smem:$0x3F98];
	s0 =	simm.s32 @p1 $0x1  }
0x15: {  	[smem:$0x3FB5] =	sst s0;
	s0 =	simm.s32 @!p2 $0x0  }
0x16: {  	s3 =	sld [smem:$0x3FDB];
	s0 =	simm.s32 @p2 $0x1  }
0x17: {  	s4 =	simm.s32 $0x1BF5;
	[smem:$0x3FB7] =	sst s0  }
0x18: {  	s0 =	sld [smem:$0x3F9A];
	_ =	swait.ge [sflag:s4], $0x0  }
0x19: {  	s7 =	sld [smem:$0x3F9B]  }
0x1a: {  	s8 =	sadd.s32 $0xFFFFE003, lr  }
0x1b: {  	s9 =	sadd.s32 $0xFFFFFEF7, lr;
	s5 =	simm.s32 $0xFFFFFFFF;
	p2 =	slt.u32 s8, $0xFFFFF086  }
0x1c: {  	p1 =	slt.u32 s9, $0xF7A;
	s5 =	simm.s32 @!p2 $0x0  }
0x1d: {  	s5 =	simm.s32 @p1 $0x1;
	p0 =	seq.s32 s7, s2  }
0x1e: {  	s7 =	smul.u32 @!p0 $0xF7A, s2;
	p2 =	seq.s32 @!p0 s5, $0x0  }
0x1f: {  	s9 =	smul.u32 $0xF7A, s1;
	s8 =	simm.s32 @!p0 $0x1BF5;
	p2 =	por !p2, p0  }
0x20: {  	[sflag:s8] =	ssyncset.s32 @!p0 $0xFFFFF086;
	s6 =	sadd.s32 @!p0 s3, s7;
	s7 =	simm.s32 @!p0 $0x108  }
0x21: {  	s3 =	sadd.s32 s3, s9;
	s6 =	sadd.s32 @!p0 $0x88, s6;
	s7 =	simm.s32 @p2 $0x1082  }
0x22: {  	[simem:s7], [sflag:s8] =	dma.local @!p0 [hbm:s6], $0xF7A  }
0x23: {  	s9 =	sor.u32 $0xD0000000, s2;
	s6 =	simm.s32 $0x108;
	_ =	swait.ge @!p0 [sflag:s8], $0x0  }
0x24: {  	s3 =	sadd.s32 $0x88, s3;
	s6 =	simm.s32 @!p1 $0x1082;
	[sflag:s4] =	ssyncset.s32 $0xFFFFF086  }
0x25: {  	[simem:s6], [sflag:s4] =	dma.local [hbm:s3], $0xF7A  }
0x26: {  	[smem:$0x3F9B] =	sst s1;
	(tag) =	ssettag s2;
	_ =	strace s9  }
0x27: {  	s1 =	sld [smem:$0x3FAB]  }
0x28: {  	s2 =	sld [smem:$0x3FAC]  }
0x29: {  	s4 =	sld [smem:$0x3FAE]  }
0x2a: {  	p0 =	seq.s32 s5, $0x0;
	s5 =	sld [smem:$0x3FAF]  }
0x2b: {  	s6 =	sld [smem:$0x3FB0]  }
0x2c: {  	s7 =	sld [smem:$0x3FB1]  }
0x2d: {  	s3 =	simm.s32 $0x108;
	s8 =	sld [smem:$0x3FB2]  }
0x2e: {  	s3 =	simm.s32 @!p0 $0x1082;
	s9 =	sld [smem:$0x3FB3]  }
0x2f: {  	lr =	sadd.s32 s0, s3;
	s0 =	sld [smem:$0x3FAA]  }
0x30: {  	s3 =	sld [smem:$0x3FAD]  }
0x31: {  	[smem:$0x3FB6] =	sst s10  }
0x32: {  	s10 =	sld [smem:$0x3FB4];
	_ =	sdelay $0x3  }
0x33: {  	p0 =	seq.s32 s10, $0x1;
	s10 =	sld [smem:$0x3FB6];
	_ =	sdelay $0x3  }
0x34: {  	[smem:$0x3FB6] =	sst s10  }
0x35: {  	s10 =	sld [smem:$0x3FB5];
	_ =	sdelay $0x3  }
0x36: {  	p1 =	seq.s32 s10, $0x1;
	s10 =	sld [smem:$0x3FB6];
	_ =	sdelay $0x3  }
0x37: {  	[smem:$0x3FB6] =	sst s10  }
0x38: {  	s10 =	sld [smem:$0x3FB7]  }
0x39: {  	_ = 	snop;
	(pc) =	sbr.ind lr, $3  }
0x3a: {  	_ = 	snop  }
0x3b: {  	_ = 	snop  }
0x3c: {  	p2 =	seq.s32 s10, $0x1;
	s10 =	sld [smem:$0x3FB6]  }
0x3d: {  	_ =	shalt  }
0x3e: {  	_ =	shalt  }
0x3f: {  	_ =	shalt  }
0x40: {  	_ =	shalt  }
0x41: {  	_ =	shalt  }
0x42: {  	_ =	shalt  }
0x43: {  	_ =	shalt  }
0x44: {  	_ =	shalt  }
0x45: {  	_ =	shalt  }
0x46: {  	_ =	shalt  }
0x47: {  	_ =	shalt  }
0x48: {  	_ =	shalt  }
0x49: {  	_ =	shalt  }
0x4a: {  	_ =	shalt  }
0x4b: {  	_ =	shalt  }
0x4c: {  	_ =	shalt  }
0x4d: {  	_ =	shalt  }
0x4e: {  	_ =	shalt  }
0x4f: {  	_ =	shalt  }
0x50: {  	_ =	shalt  }
0x51: {  	_ =	shalt  }
0x52: {  	_ =	shalt  }
0x53: {  	_ =	shalt  }
0x54: {  	_ =	shalt  }
0x55: {  	_ =	shalt  }
0x56: {  	_ =	shalt  }
0x57: {  	_ =	shalt  }
0x58: {  	_ =	shalt  }
0x59: {  	_ =	shalt  }
0x5a: {  	_ =	shalt  }
0x5b: {  	_ =	shalt  }
0x5c: {  	_ =	shalt  }
0x5d: {  	_ =	shalt  }
0x5e: {  	_ =	shalt  }
0x5f: {  	_ =	shalt  }
0x60: {  	_ =	shalt  }
0x61: {  	_ =	shalt  }
0x62: {  	_ =	shalt  }
0x63: {  	_ =	shalt  }
0x64: {  	_ =	shalt  }
0x65: {  	_ =	shalt  }
0x66: {  	_ =	shalt  }
0x67: {  	_ =	shalt  }
0x68: {  	_ =	shalt  }
0x69: {  	_ =	shalt  }
0x6a: {  	_ =	shalt  }
0x6b: {  	_ =	shalt  }
0x6c: {  	_ =	shalt  }
0x6d: {  	_ =	shalt  }
0x6e: {  	_ =	shalt  }
0x6f: {  	_ =	shalt  }
0x70: {  	_ =	shalt  }
0x71: {  	_ =	shalt  }
0x72: {  	_ =	shalt  }
0x73: {  	_ =	shalt  }
0x74: {  	_ =	shalt  }
0x75: {  	_ =	shalt  }
0x76: {  	_ =	shalt  }
0x77: {  	_ =	shalt  }
0x78: {  	_ =	shalt  }
0x79: {  	_ =	shalt  }
0x7a: {  	_ =	shalt  }
0x7b: {  	_ =	shalt  }
0x7c: {  	_ =	shalt  }
0x7d: {  	_ =	shalt  }
0x7e: {  	_ =	shalt  }
0x7f: {  	_ =	shalt  }
0x80: {  	_ =	shalt  }
0x81: {  	_ =	shalt  }
0x82: {  	_ =	shalt  }
0x83: {  	_ =	shalt  }
0x84: {  	_ =	shalt  }
0x85: {  	_ =	shalt  }
0x86: {  	_ =	shalt  }
0x87: {  	_ =	shalt  }
.Lfunc_end0:
.L_simem_size_0:
called_computation.1_lowered:
.L_overlay_start_0:
0x88: {  	s2 =	sld [smem:$0x3FD9]  }
0x89: {  	s3 =	sld [smem:$0x3FFE];
	_ =	sdelay $0x1  }
0x8a: {  	s1 =	srdreg.scid  }
0x8b: {  	s0 =	sand.u32 $0x1, s1  }
0x8c: {  	s16 =	sshll.u32 s0, $0xA;
	s2 =	sadd.s32 s3, s2  }
0x8d: {  	s2 =	sadd.s32 s2, s16  }
0x8e: {  	[smem:$0x3FC2] =	sst s2  }
0x8f: {  	_ = 	snop  }
0x90: {  	(tm) =	ssettm $0x1  }
0x91: {  	s17 =	sld [smem:$0x3FFB];
	_ =	sdelay $0x3  }
0x92: {  	_ =	strace s17  }
0x93: {  	s2 =	sld [smem:$0x3FFC];
	_ =	sdelay $0x3  }
0x94: {  	_ =	strace s2  }
0x95: {  	s2 =	sld [smem:$0x3FFD];
	_ =	sdelay $0x3  }
0x96: {  	_ =	strace s2  }
0x97: {  	_ =	strace $0x8FFFFFFF  }
0x98: {  	s18 =	sld [smem:$0x3FDB];
	_ =	sdelay $0x1  }
0x99: {  	s19 =	simm.s32 $_scs_section_size  }
0x9a: {  	s4 =	simm.s32 $_size__tile_overlayer_lowered;
	s5 =	simm.s32 $_tile_overlayer_lowered  }
0x9b: {  	s22 =	simm.s32 $0x1BFF;
	s21 =	sshll.u32 s5, $0x1;
	s2 =	sadd.s32 s19, s18  }
0x9c: {  	s6 =	simm.s32 $0x0;
	s20 =	sshll.u32 s4, $0x1;
	s4 =	sadd.s32 s21, s2  }
0x9d: {  	[timem:s6], [sflag:s22] =	dma.local [hbm:s4], s20  }
0x9e: {  	_ =	swait.ge [sflag:s22], s20  }
0x9f: {  	s3 =	ssub.s32 $0x0, s20;
	[sflag:s22] =	ssyncset.done $0x0  }
0xa0: {  	[sflag:s22] =	ssyncadd.s32 s3;
	_ =	sdelay $0x1  }
0xa1: {  	s23 =	simm.s32 $0x1B8B  }
0xa2: {  	_ =	swait.ge [sflag:s23], $0x1  }
0xa3: {  	[sflag:s23] =	ssyncset.done $0x0  }
0xa4: {  	s25 =	simm.s32 $0x1B8E;
	s24 =	sld [smem:$0x3FFE];
	[sflag:s23] =	ssyncadd.s32 $0xFFFFFFFF  }
0xa5: {  	s26 =	simm.s32 $execute0_lowered;
	[smem:$0x3FD2] =	sst s25  }
0xa6: {  	s4 =	sshll.u32 s26, $0x1;
	_ =	strace $0x80000049;
	[dreg:$0x1] =	wrdreg $0xFFFFFFFF  }
0xa7: {  	s28 =	simm.s32 $_size_execute0_lowered;
	s2 =	sadd.s32 s2, s4;
	[dreg:$0x0] =	wrdreg $0x0  }
0xa8: {  	s4 =	sshll.u32 s28, $0x1;
	[dreg:$0x2] =	wrdreg s2  }
0xa9: {  	[dreg:$0x3] =	wrdreg s4  }
0xaa: {  	[dreg:$0x4] =	wrdreg $0xC0  }
0xab: {  	_ =	task [dreg:s6], $0x5FFFF  }
0xac: {  	[dreg:$0x1] =	wrdreg $0xFFFFFFFF  }
0xad: {  	[dreg:$0x0] =	wrdreg $0x60  }
0xae: {  	[dreg:$0x2] =	wrdreg s24  }
0xaf: {  	[dreg:$0x3] =	wrdreg $0x9  }
0xb0: {  	_ =	task.clear_ibuf [dreg:s6], $0x4FFFF;
	_ =	strace $0x90000049  }
0xb1: {  	s29 =	simm.s32 $0x9;
	_ =	strace $0x8000004B  }
0xb2: {  	_ =	swait.ge [sflag:s29], $0x1  }
0xb3: {  	[sflag:s29] =	ssyncadd.s32 $0xFFFFFFFF  }
0xb4: {  	_ =	strace $0x9000004B  }
0xb5: {  	_ =	sfence  }
0xb6: {  	s30 =	sld [smem:$0x0];
	_ =	sdelay $0x2  }
0xb7: {  	s31 =	sshll.u32 s1, $0xD;
	s1 =	sshrl.u32 s1, $0x2  }
0xb8: {  	s3 =	sand.u32 $0x4000, s31;
	s1 =	sadd.s32 s1, s30  }
0xb9: {  	s0 =	sor.u32 s3, s0;
	s1 =	sshll.u32 s1, $0x11  }
0xba: {  	s0 =	sor.u32 s1, s0  }
0xbb: {  	s0 =	sadd.s32 $0x8F2B, s0  }
0xbc: {  	[sflag:s0] =	ssyncadd.remote.s32 $0x1  }
0xbd: {  	_ =	sfence.sel $0xFFFF  }
0xbe: {  	[dreg:$0x0] =	wrdreg $0xFFFFFFFF;
	(pc) =	sbr.abs _section_cstart, $3  }
0xbf: {  	[dreg:$0x1] =	wrdreg $0xFFFFFFFF  }
0xc0: {  	_ =	task.clear_ibuf [dreg:s6], $0x2FFFF;
	_ =	strace $0x9FFFFFFF  }
0xc1: {  	(tm) =	ssettm $0x7FFFFFFF  }
tec
execute0_lowered:
.L_overlay_start_1:
0x0: {  	(tag) =	ssettag $0x1  }
0x1: {  	s0 =	srdreg.scid;
	s5 =	stileid.u32  }
0x2: {  	s1 =	rddreg [dreg:$0x0];
	s2 =	simm.s32 $0x0;
	s14 =	simm.s32 $0x880  }
0x3: {  	s16 =	simm.s32 $0x1080;
	s17 =	simm.s32 $0x1880;
	s18 =	simm.s32 $0x2080  }
0x4: {  	s19 =	simm.s32 $0x2880;
	s9 =	simm.s32 $0x3080;
	[smem:$0x7FF] =	sst s2  }
0x5: {  	s20 =	simm.s32 $0x3880;
	_ =	strace $0x8000004A;
	[dreg:$0x3] =	wrdreg s14  }
0x6: {  	s21 =	simm.s32 $0x4080;
	s22 =	simm.s32 $0x4880;
	[dreg:$0x4] =	wrdreg s16  }
0x7: {  	s23 =	simm.s32 $0x5080;
	s24 =	simm.s32 $0x5880;
	[dreg:$0x5] =	wrdreg s17  }
0x8: {  	s25 =	simm.s32 $0x6080;
	s10 =	simm.s32 $0x80;
	[dreg:$0x6] =	wrdreg s18  }
0x9: {  	s26 =	simm.s32 $0x6880;
	s11 =	simm.s32 $0x7080;
	[dreg:$0x7] =	wrdreg s19  }
0xa: {  	s12 =	simm.s32 $0x7880;
	s28 =	simm.s32 $0xF080;
	[dreg:$0x8] =	wrdreg s9  }
0xb: {  	s29 =	simm.s32 $0xF880;
	s30 =	simm.s32 $0x1;
	[dreg:$0x9] =	wrdreg s20  }
0xc: {  	s31 =	simm.s32 $0x0;
	s0 =	sand.u32 $0x1, s0;
	[dreg:$0xa] =	wrdreg s21  }
0xd: {  	s3 =	sshll.u32 s5, $0x9;
	s5 =	sshll.u32 s5, $0x10;
	[dreg:$0xb] =	wrdreg s22  }
0xe: {  	s4 =	sshll.u32 s0, $0x8;
	s8 =	sadd.s32 s5, s1;
	[dreg:$0xc] =	wrdreg s23  }
0xf: {  	s15 =	ssub.s32 $0x2, s0;
	s5 =	sadd.s32 $0x290600, s1;
	[dreg:$0xd] =	wrdreg s24  }
0x10: {  	s0 =	sshll.u32 s0, $0xF;
	s9 =	simm.s32 $0x2;
	[dreg:$0xe] =	wrdreg s25  }
0x11: {  	[dreg:$0xf] =	wrdreg s26;
	s14 =	simm.s32 $0x8880;
	s16 =	simm.s32 $0x9880  }
0x12: {  	s17 =	simm.s32 $0xA080;
	s18 =	simm.s32 $0xA880;
	s19 =	simm.s32 $0xB080  }
0x13: {  	s20 =	simm.s32 $0xB880;
	s21 =	simm.s32 $0xC080;
	s22 =	simm.s32 $0xC880  }
0x14: {  	s23 =	simm.s32 $0xD080;
	s24 =	simm.s32 $0xD880;
	s25 =	simm.s32 $0xE080  }
0x15: {  	s26 =	simm.s32 $0xE880;
	s3 =	sor.u32 s4, s3;
	s6 =	sshrl.u32 s15, $0x1  }
0x16: {  	s0 =	sadd.s32 s0, s8;
	s3 =	sshrl.u32 s3, $0x3;
	s7 =	ssub.s32 s15, s6  }
0x17: {  	s6 =	sadd.s32 $0x290700, s1;
	s0 =	sadd.s32 $0x10400, s0;
	s15 =	simm.s32 $0x9080  }
0x18: {  	v2 =	vlaneseq.u32;
	s13 =	sadd.s32 s3, s1;
	s7 =	smax.u32 s7, $0x1;
	[dreg:$0x11] =	wrdreg s0  }
0x19: {  	vm0 =	vmmov $0xffff;
	v1 =	vshrl.u32 v2, $0x3;
	s3 =	sadd.s32 $0x290400, s1;
	s4 =	sadd.s32 $0x10000, s13;
	[dreg:$0x10] =	wrdreg s7  }
0x1a: {  	v0 =	vand.u32 $0x7, v2;
	v2 =	vor.u32 $0x8, v2;
	v1 =	vmul.u32 $0x8, v1;
	s13 =	simm.s32 $0x8080;
	[dreg:$0x2] =	wrdreg s4;
	s4 =	sadd.s32 $0x290500, s1  }
.LBB2_1:
0x1b: {  	s8 =	rddreg [dreg:$0x11];
	s0 =	simm.s32 $0x0  }
.LBB2_2:
0x1c: {  	s7 =	rddreg [dreg:$0x2]  }
0x1d: {  	s7 =	sadd.s32 s0, s7  }
0x1e: {  	[tilespmem:s2], [sflag:$0x2] =	stream.linear.gather [hbm4b:s7+s2], $0x40, $0x38;
	[tilespmem:$0x10080] =	vst v63  }
0x1f: {  	_ =	swait.ge [sflag:s9], $0x40  }
0x20: {  	[sflag:s9] =	ssyncset.done $0x0  }
0x21: {  	[sflag:s9] =	ssyncadd.s32 $0xFFFFFFC0  }
0x22: {  	v3 =	vld [tilespmem:$0x0];
	_ =	sdelay $0x4  }
0x23: {  	v4 =	vshll.u32 v3, $0x3  }
0x24: {  	v3 =	vand.u32 $0x7, v3;
	v4 =	vand.u32 $0xFFFFFFC0, v4  }
0x25: {  	v3 =	vor.u32 v3, v4  }
0x26: {  	v4 =	vperm.xlane v3, v0;
	_ =	sdelay $0x1  }
0x27: {  	v4 =	vadd.s32 v1, v4;
	_ =	sdelay $0x4  }
0x28: {  	[tilespmem:s10], [sflag:$0x1] =	stream.indirect_vreg.gather [hbm4b:s3+s2], $0x80, v4, vm0, $0xb8;
	[tilespmem:$0x10080] =	vst v63  }
0x29: {  	s7 =	rddreg [dreg:$0x3];
	v3 =	vperm.xlane v3, v2  }
0x2a: {  	[tilespmem:s7], [sflag:$0x1] =	stream.indirect_vreg.gather [hbm4b:s4+s2], $0x80, v4, vm0, $0xb8;
	[tilespmem:$0x10080] =	vst v63  }
0x2b: {  	s1 =	rddreg [dreg:$0x4];
	v3 =	vadd.s32 v1, v3  }
0x2c: {  	[tilespmem:s1], [sflag:$0x1] =	stream.indirect_vreg.gather [hbm4b:s5+s2], $0x80, v4, vm0, $0xb8;
	[tilespmem:$0x10080] =	vst v63  }
0x2d: {  	s7 =	rddreg [dreg:$0x5]  }
0x2e: {  	[tilespmem:s7], [sflag:$0x1] =	stream.indirect_vreg.gather [hbm4b:s6+s2], $0x80, v4, vm0, $0xb8;
	[tilespmem:$0x10080] =	vst v63  }
0x2f: {  	s1 =	rddreg [dreg:$0x6]  }
0x30: {  	[tilespmem:s1], [sflag:$0x1] =	stream.indirect_vreg.gather [hbm4b:s3+s2], $0x80, v3, vm0, $0xb8;
	[tilespmem:$0x10080] =	vst v63  }
0x31: {  	s7 =	rddreg [dreg:$0x7]  }
0x32: {  	[tilespmem:s7], [sflag:$0x1] =	stream.indirect_vreg.gather [hbm4b:s4+s2], $0x80, v3, vm0, $0xb8;
	[tilespmem:$0x10080] =	vst v63  }
0x33: {  	s1 =	rddreg [dreg:$0x8]  }
0x34: {  	[tilespmem:s1], [sflag:$0x1] =	stream.indirect_vreg.gather [hbm4b:s5+s2], $0x80, v3, vm0, $0xb8;
	[tilespmem:$0x10080] =	vst v63  }
0x35: {  	s7 =	rddreg [dreg:$0x9]  }
0x36: {  	[tilespmem:s7], [sflag:$0x1] =	stream.indirect_vreg.gather [hbm4b:s6+s2], $0x80, v3, vm0, $0xb8;
	[tilespmem:$0x10080] =	vst v63  }
0x37: {  	v3 =	vld [tilespmem:$0x10];
	_ =	sdelay $0x4  }
0x38: {  	v61 =	vshll.u32 v3, $0x3  }
0x39: {  	v3 =	vand.u32 $0x7, v3;
	v4 =	vand.u32 $0xFFFFFFC0, v61  }
0x3a: {  	v3 =	vor.u32 v3, v4  }
0x3b: {  	v4 =	vperm.xlane v3, v0;
	_ =	sdelay $0x1  }
0x3c: {  	v4 =	vadd.s32 v1, v4;
	_ =	sdelay $0x3  }
0x3d: {  	s1 =	rddreg [dreg:$0xa]  }
0x3e: {  	[tilespmem:s1], [sflag:$0x1] =	stream.indirect_vreg.gather [hbm4b:s3+s2], $0x80, v4, vm0, $0xb8;
	[tilespmem:$0x10080] =	vst v63  }
0x3f: {  	s7 =	rddreg [dreg:$0xb];
	v3 =	vperm.xlane v3, v2  }
0x40: {  	[tilespmem:s7], [sflag:$0x1] =	stream.indirect_vreg.gather [hbm4b:s4+s2], $0x80, v4, vm0, $0xb8;
	[tilespmem:$0x10080] =	vst v63  }
0x41: {  	v3 =	vadd.s32 v1, v3;
	s1 =	rddreg [dreg:$0xc]  }
0x42: {  	[tilespmem:s1], [sflag:$0x1] =	stream.indirect_vreg.gather [hbm4b:s5+s2], $0x80, v4, vm0, $0xb8;
	[tilespmem:$0x10080] =	vst v63  }
0x43: {  	s7 =	rddreg [dreg:$0xd]  }
0x44: {  	[tilespmem:s7], [sflag:$0x1] =	stream.indirect_vreg.gather [hbm4b:s6+s2], $0x80, v4, vm0, $0xb8;
	[tilespmem:$0x10080] =	vst v63  }
0x45: {  	s1 =	rddreg [dreg:$0xe]  }
0x46: {  	[tilespmem:s1], [sflag:$0x1] =	stream.indirect_vreg.gather [hbm4b:s3+s2], $0x80, v3, vm0, $0xb8;
	[tilespmem:$0x10080] =	vst v63  }
0x47: {  	s7 =	rddreg [dreg:$0xf]  }
0x48: {  	[tilespmem:s7], [sflag:$0x1] =	stream.indirect_vreg.gather [hbm4b:s4+s2], $0x80, v3, vm0, $0xb8;
	[tilespmem:$0x10080] =	vst v63  }
0x49: {  	_ = 	snop  }
0x4a: {  	[tilespmem:s11], [sflag:$0x1] =	stream.indirect_vreg.gather [hbm4b:s5+s2], $0x80, v3, vm0, $0xb8;
	[tilespmem:$0x10080] =	vst v63  }
0x4b: {  	_ = 	snop  }
0x4c: {  	[tilespmem:s12], [sflag:$0x1] =	stream.indirect_vreg.gather [hbm4b:s6+s2], $0x80, v3, vm0, $0xb8;
	[tilespmem:$0x10080] =	vst v63  }
0x4d: {  	v3 =	vld [tilespmem:$0x20];
	_ =	sdelay $0x4  }
0x4e: {  	v62 =	vshll.u32 v3, $0x3  }
0x4f: {  	v3 =	vand.u32 $0x7, v3;
	v4 =	vand.u32 $0xFFFFFFC0, v62  }
0x50: {  	v3 =	vor.u32 v3, v4  }
0x51: {  	v4 =	vperm.xlane v3, v0;
	_ =	sdelay $0x1  }
0x52: {  	v4 =	vadd.s32 v1, v4;
	_ =	sdelay $0x4  }
0x53: {  	[tilespmem:s13], [sflag:$0x1] =	stream.indirect_vreg.gather [hbm4b:s3+s2], $0x80, v4, vm0, $0xb8;
	[tilespmem:$0x10080] =	vst v63  }
0x54: {  	v3 =	vperm.xlane v3, v2  }
0x55: {  	[tilespmem:s14], [sflag:$0x1] =	stream.indirect_vreg.gather [hbm4b:s4+s2], $0x80, v4, vm0, $0xb8;
	[tilespmem:$0x10080] =	vst v63  }
0x56: {  	v3 =	vadd.s32 v1, v3  }
0x57: {  	[tilespmem:s15], [sflag:$0x1] =	stream.indirect_vreg.gather [hbm4b:s5+s2], $0x80, v4, vm0, $0xb8;
	[tilespmem:$0x10080] =	vst v63  }
0x58: {  	_ = 	snop  }
0x59: {  	[tilespmem:s16], [sflag:$0x1] =	stream.indirect_vreg.gather [hbm4b:s6+s2], $0x80, v4, vm0, $0xb8;
	[tilespmem:$0x10080] =	vst v63  }
0x5a: {  	_ = 	snop  }
0x5b: {  	[tilespmem:s17], [sflag:$0x1] =	stream.indirect_vreg.gather [hbm4b:s3+s2], $0x80, v3, vm0, $0xb8;
	[tilespmem:$0x10080] =	vst v63  }
0x5c: {  	_ = 	snop  }
0x5d: {  	[tilespmem:s18], [sflag:$0x1] =	stream.indirect_vreg.gather [hbm4b:s4+s2], $0x80, v3, vm0, $0xb8;
	[tilespmem:$0x10080] =	vst v63  }
0x5e: {  	_ = 	snop  }
0x5f: {  	[tilespmem:s19], [sflag:$0x1] =	stream.indirect_vreg.gather [hbm4b:s5+s2], $0x80, v3, vm0, $0xb8;
	[tilespmem:$0x10080] =	vst v63  }
0x60: {  	_ = 	snop  }
0x61: {  	[tilespmem:s20], [sflag:$0x1] =	stream.indirect_vreg.gather [hbm4b:s6+s2], $0x80, v3, vm0, $0xb8;
	[tilespmem:$0x10080] =	vst v63  }
0x62: {  	v3 =	vld [tilespmem:$0x30];
	_ =	sdelay $0x4  }
0x63: {  	v63 =	vshll.u32 v3, $0x3  }
0x64: {  	v3 =	vand.u32 $0x7, v3;
	v4 =	vand.u32 $0xFFFFFFC0, v63  }
0x65: {  	v3 =	vor.u32 v3, v4  }
0x66: {  	v4 =	vperm.xlane v3, v0;
	_ =	sdelay $0x1  }
0x67: {  	v4 =	vadd.s32 v1, v4;
	_ =	sdelay $0x4  }
0x68: {  	[tilespmem:s21], [sflag:$0x1] =	stream.indirect_vreg.gather [hbm4b:s3+s2], $0x80, v4, vm0, $0xb8;
	[tilespmem:$0x10080] =	vst v63  }
0x69: {  	v3 =	vperm.xlane v3, v2  }
0x6a: {  	[tilespmem:s22], [sflag:$0x1] =	stream.indirect_vreg.gather [hbm4b:s4+s2], $0x80, v4, vm0, $0xb8;
	[tilespmem:$0x10080] =	vst v63  }
0x6b: {  	v3 =	vadd.s32 v1, v3  }
0x6c: {  	[tilespmem:s23], [sflag:$0x1] =	stream.indirect_vreg.gather [hbm4b:s5+s2], $0x80, v4, vm0, $0xb8;
	[tilespmem:$0x10080] =	vst v63  }
0x6d: {  	_ = 	snop  }
0x6e: {  	[tilespmem:s24], [sflag:$0x1] =	stream.indirect_vreg.gather [hbm4b:s6+s2], $0x80, v4, vm0, $0xb8;
	[tilespmem:$0x10080] =	vst v63  }
0x6f: {  	_ = 	snop  }
0x70: {  	[tilespmem:s25], [sflag:$0x1] =	stream.indirect_vreg.gather [hbm4b:s3+s2], $0x80, v3, vm0, $0xb8;
	[tilespmem:$0x10080] =	vst v63  }
0x71: {  	_ = 	snop  }
0x72: {  	[tilespmem:s26], [sflag:$0x1] =	stream.indirect_vreg.gather [hbm4b:s4+s2], $0x80, v3, vm0, $0xb8;
	[tilespmem:$0x10080] =	vst v63  }
0x73: {  	_ = 	snop  }
0x74: {  	[tilespmem:s28], [sflag:$0x1] =	stream.indirect_vreg.gather [hbm4b:s5+s2], $0x80, v3, vm0, $0xb8;
	[tilespmem:$0x10080] =	vst v63  }
0x75: {  	_ = 	snop  }
0x76: {  	[tilespmem:s29], [sflag:$0x1] =	stream.indirect_vreg.gather [hbm4b:s6+s2], $0x80, v3, vm0, $0xb8;
	[tilespmem:$0x10080] =	vst v63  }
0x77: {  	_ =	swait.ge [sflag:s30], $0x10000  }
0x78: {  	p0 =	sne.s32 s0, $0x18;
	[sflag:s30] =	ssyncset.done $0x0  }
.Ltmp0:
0x79: {  	[sflag:s30] =	ssyncadd.s32 $0xFFFF0000;
	(pc) =	sbr.rel @p0 .LBB2_2-.Ltmp0, $4  }
0x7a: {  	[hbm4b:s8+s2] =	stream.linear.scatter [tilespmem:s10], [sflag:$0x2], $0x10000, $0x38;
	[tilespmem:$0x10080] =	vst v63  }
0x7b: {  	_ =	swait.ge [sflag:s9], $0x10000  }
0x7c: {  	[sflag:s9] =	ssyncset.done $0x0  }
0x7d: {  	s0 =	sadd.s32 $0x8, s0;
	s8 =	sadd.s32 $0x2000, s8;
	[sflag:s9] =	ssyncadd.s32 $0xFFFF0000  }
0x7e: {  	s31 =	sadd.s32 $0x1, s31;
	s0 =	rddreg [dreg:$0x10]  }
0x7f: {  	p0 =	sne.s32 s31, s0  }
.Ltmp1:
0x80: {  	_ = 	snop;
	(pc) =	sbr.rel @p0 .LBB2_1-.Ltmp1, $1  }
0x81: {  	_ =	sdelay $0x3  }
0x82: {  	_ =	sfence.sel $0x180000  }
0x83: {  	[bflag:$0x0] =	sbarrier.arrive $0xFFFF  }
0x84: {  	_ =	strace $0x9000004A  }
0x85: {  	s0 =	stileid.u32;
	[bflag:$0x2] =	sbarrier.arrive $0xFFFF  }
0x86: {  	p0 =	sne.s32 s0, $0x0;
	s0 =	rddreg [dreg:$0x1]  }
0x87: {  	s0 =	sadd.s32 @!p0 $0x100000, s0  }
0x88: {  	[sflag:s0] =	ssyncadd.tile.s32 @!p0 $0x1;
	_ =	shalt  }
.Lfunc_end2:
_tile_overlayer_lowered:
.L_overlay_start_2:
0x89: {  	(tag) =	ssettag $0x2  }
0x8a: {  	s0 =	rddreg [dreg:$0x0];
	s2 =	stileid.u32  }
0x8b: {  	s1 =	rddreg [dreg:$0x1];
	p0 =	sne.s32 s2, $0x0  }
0x8c: {  	s3 =	rddreg [dreg:$0x2];
	[bflag:$0x3] =	sbarrier.arrive $0xFFFF;
	s2 =	simm.s32 @!p0 $0x1C02  }
0x8d: {  	[timem:s3], [sflag:s2] =	dma.local @!p0 [hbm:s0], s1  }
0x8e: {  	s0 =	simm.s32 @!p0 $0x2  }
0x8f: {  	_ =	swait.ge @!p0 [sflag:s0], s1  }
0x90: {  	s1 =	ssub.s32 @!p0 $0x0, s1;
	[sflag:s0] =	ssyncset.done @!p0 $0x0  }
0x91: {  	[sflag:s0] =	ssyncadd.s32 @!p0 s1  }
0x92: {  	[bflag:$0x3] =	sbarrier.arrive $0xFFFF  }
0x93: {  	_ =	shalt  }

// kernel: kernel.9.cloned.1.call-start
scs
__scs_entry_jumppad:
0x0: {  	(pc) =	sbr.rel $0x88, $3  }
0x1: {  	(tag) =	ssettag $0x0;
	lr =	simm.s32 $0x1  }
0x2: {  	[smem:$0x3F9B] =	sst lr;
	_ =	strace $0xD0000000  }
0x3: {  	_ = 	snop  }
0x4: {  	_ = 	snop  }
0x5: {  	_ = 	snop  }
0x6: {  	_ = 	snop  }
0x7: {  	_ = 	snop  }
__scs_overlays_trampoline_lowered:
0x8: {  	[smem:$0x3FAA] =	sst s0  }
0x9: {  	[smem:$0x3FAB] =	sst s1  }
0xa: {  	[smem:$0x3FAC] =	sst s2  }
0xb: {  	[smem:$0x3FAD] =	sst s3  }
0xc: {  	[smem:$0x3FAE] =	sst s4  }
0xd: {  	[smem:$0x3FAF] =	sst s5  }
0xe: {  	[smem:$0x3FB0] =	sst s6  }
0xf: {  	[smem:$0x3FB1] =	sst s7  }
0x10: {  	[smem:$0x3FB2] =	sst s8  }
0x11: {  	[smem:$0x3FB3] =	sst s9;
	s0 =	simm.s32 @!p0 $0x0  }
0x12: {  	s1 =	sld [smem:$0x3F99];
	s0 =	simm.s32 @p0 $0x1  }
0x13: {  	[smem:$0x3FB4] =	sst s0;
	s0 =	simm.s32 @!p1 $0x0  }
0x14: {  	s2 =	sld [smem:$0x3F98];
	s0 =	simm.s32 @p1 $0x1  }
0x15: {  	[smem:$0x3FB5] =	sst s0;
	s0 =	simm.s32 @!p2 $0x0  }
0x16: {  	s3 =	sld [smem:$0x3FDB];
	s0 =	simm.s32 @p2 $0x1  }
0x17: {  	s4 =	simm.s32 $0x1BF5;
	[smem:$0x3FB7] =	sst s0  }
0x18: {  	s0 =	sld [smem:$0x3F9A];
	_ =	swait.ge [sflag:s4], $0x0  }
0x19: {  	s7 =	sld [smem:$0x3F9B]  }
0x1a: {  	s8 =	sadd.s32 $0xFFFFE003, lr  }
0x1b: {  	s9 =	sadd.s32 $0xFFFFFEF7, lr;
	s5 =	simm.s32 $0xFFFFFFFF;
	p2 =	slt.u32 s8, $0xFFFFF086  }
0x1c: {  	p1 =	slt.u32 s9, $0xF7A;
	s5 =	simm.s32 @!p2 $0x0  }
0x1d: {  	s5 =	simm.s32 @p1 $0x1;
	p0 =	seq.s32 s7, s2  }
0x1e: {  	s7 =	smul.u32 @!p0 $0xF7A, s2;
	p2 =	seq.s32 @!p0 s5, $0x0  }
0x1f: {  	s9 =	smul.u32 $0xF7A, s1;
	s8 =	simm.s32 @!p0 $0x1BF5;
	p2 =	por !p2, p0  }
0x20: {  	[sflag:s8] =	ssyncset.s32 @!p0 $0xFFFFF086;
	s6 =	sadd.s32 @!p0 s3, s7;
	s7 =	simm.s32 @!p0 $0x108  }
0x21: {  	s3 =	sadd.s32 s3, s9;
	s6 =	sadd.s32 @!p0 $0x88, s6;
	s7 =	simm.s32 @p2 $0x1082  }
0x22: {  	[simem:s7], [sflag:s8] =	dma.local @!p0 [hbm:s6], $0xF7A  }
0x23: {  	s9 =	sor.u32 $0xD0000000, s2;
	s6 =	simm.s32 $0x108;
	_ =	swait.ge @!p0 [sflag:s8], $0x0  }
0x24: {  	s3 =	sadd.s32 $0x88, s3;
	s6 =	simm.s32 @!p1 $0x1082;
	[sflag:s4] =	ssyncset.s32 $0xFFFFF086  }
0x25: {  	[simem:s6], [sflag:s4] =	dma.local [hbm:s3], $0xF7A  }
0x26: {  	[smem:$0x3F9B] =	sst s1;
	(tag) =	ssettag s2;
	_ =	strace s9  }
0x27: {  	s1 =	sld [smem:$0x3FAB]  }
0x28: {  	s2 =	sld [smem:$0x3FAC]  }
0x29: {  	s4 =	sld [smem:$0x3FAE]  }
0x2a: {  	p0 =	seq.s32 s5, $0x0;
	s5 =	sld [smem:$0x3FAF]  }
0x2b: {  	s6 =	sld [smem:$0x3FB0]  }
0x2c: {  	s7 =	sld [smem:$0x3FB1]  }
0x2d: {  	s3 =	simm.s32 $0x108;
	s8 =	sld [smem:$0x3FB2]  }
0x2e: {  	s3 =	simm.s32 @!p0 $0x1082;
	s9 =	sld [smem:$0x3FB3]  }
0x2f: {  	lr =	sadd.s32 s0, s3;
	s0 =	sld [smem:$0x3FAA]  }
0x30: {  	s3 =	sld [smem:$0x3FAD]  }
0x31: {  	[smem:$0x3FB6] =	sst s10  }
0x32: {  	s10 =	sld [smem:$0x3FB4];
	_ =	sdelay $0x3  }
0x33: {  	p0 =	seq.s32 s10, $0x1;
	s10 =	sld [smem:$0x3FB6];
	_ =	sdelay $0x3  }
0x34: {  	[smem:$0x3FB6] =	sst s10  }
0x35: {  	s10 =	sld [smem:$0x3FB5];
	_ =	sdelay $0x3  }
0x36: {  	p1 =	seq.s32 s10, $0x1;
	s10 =	sld [smem:$0x3FB6];
	_ =	sdelay $0x3  }
0x37: {  	[smem:$0x3FB6] =	sst s10  }
0x38: {  	s10 =	sld [smem:$0x3FB7]  }
0x39: {  	_ = 	snop;
	(pc) =	sbr.ind lr, $3  }
0x3a: {  	_ = 	snop  }
0x3b: {  	_ = 	snop  }
0x3c: {  	p2 =	seq.s32 s10, $0x1;
	s10 =	sld [smem:$0x3FB6]  }
0x3d: {  	_ =	shalt  }
0x3e: {  	_ =	shalt  }
0x3f: {  	_ =	shalt  }
0x40: {  	_ =	shalt  }
0x41: {  	_ =	shalt  }
0x42: {  	_ =	shalt  }
0x43: {  	_ =	shalt  }
0x44: {  	_ =	shalt  }
0x45: {  	_ =	shalt  }
0x46: {  	_ =	shalt  }
0x47: {  	_ =	shalt  }
0x48: {  	_ =	shalt  }
0x49: {  	_ =	shalt  }
0x4a: {  	_ =	shalt  }
0x4b: {  	_ =	shalt  }
0x4c: {  	_ =	shalt  }
0x4d: {  	_ =	shalt  }
0x4e: {  	_ =	shalt  }
0x4f: {  	_ =	shalt  }
0x50: {  	_ =	shalt  }
0x51: {  	_ =	shalt  }
0x52: {  	_ =	shalt  }
0x53: {  	_ =	shalt  }
0x54: {  	_ =	shalt  }
0x55: {  	_ =	shalt  }
0x56: {  	_ =	shalt  }
0x57: {  	_ =	shalt  }
0x58: {  	_ =	shalt  }
0x59: {  	_ =	shalt  }
0x5a: {  	_ =	shalt  }
0x5b: {  	_ =	shalt  }
0x5c: {  	_ =	shalt  }
0x5d: {  	_ =	shalt  }
0x5e: {  	_ =	shalt  }
0x5f: {  	_ =	shalt  }
0x60: {  	_ =	shalt  }
0x61: {  	_ =	shalt  }
0x62: {  	_ =	shalt  }
0x63: {  	_ =	shalt  }
0x64: {  	_ =	shalt  }
0x65: {  	_ =	shalt  }
0x66: {  	_ =	shalt  }
0x67: {  	_ =	shalt  }
0x68: {  	_ =	shalt  }
0x69: {  	_ =	shalt  }
0x6a: {  	_ =	shalt  }
0x6b: {  	_ =	shalt  }
0x6c: {  	_ =	shalt  }
0x6d: {  	_ =	shalt  }
0x6e: {  	_ =	shalt  }
0x6f: {  	_ =	shalt  }
0x70: {  	_ =	shalt  }
0x71: {  	_ =	shalt  }
0x72: {  	_ =	shalt  }
0x73: {  	_ =	shalt  }
0x74: {  	_ =	shalt  }
0x75: {  	_ =	shalt  }
0x76: {  	_ =	shalt  }
0x77: {  	_ =	shalt  }
0x78: {  	_ =	shalt  }
0x79: {  	_ =	shalt  }
0x7a: {  	_ =	shalt  }
0x7b: {  	_ =	shalt  }
0x7c: {  	_ =	shalt  }
0x7d: {  	_ =	shalt  }
0x7e: {  	_ =	shalt  }
0x7f: {  	_ =	shalt  }
0x80: {  	_ =	shalt  }
0x81: {  	_ =	shalt  }
0x82: {  	_ =	shalt  }
0x83: {  	_ =	shalt  }
0x84: {  	_ =	shalt  }
0x85: {  	_ =	shalt  }
0x86: {  	_ =	shalt  }
0x87: {  	_ =	shalt  }
.Lfunc_end0:
.L_simem_size_0:
called_computation_lowered:
.L_overlay_start_0:
0x88: {  	s2 =	sld [smem:$0x3FD9]  }
0x89: {  	s3 =	sld [smem:$0x3FFE];
	_ =	sdelay $0x1  }
0x8a: {  	s1 =	srdreg.scid  }
0x8b: {  	s0 =	sand.u32 $0x1, s1  }
0x8c: {  	s17 =	sshll.u32 s0, $0xA;
	s2 =	sadd.s32 s3, s2  }
0x8d: {  	s2 =	sadd.s32 s2, s17  }
0x8e: {  	[smem:$0x3FC2] =	sst s2  }
0x8f: {  	_ = 	snop  }
0x90: {  	s2 =	sld [smem:$0x3FC9];
	(tm) =	ssettm $0x1  }
0x91: {  	s18 =	sld [smem:$0x3FFB];
	_ =	sdelay $0x3  }
0x92: {  	_ =	strace s18  }
0x93: {  	s3 =	sld [smem:$0x3FFC];
	_ =	sdelay $0x3  }
0x94: {  	_ =	strace s3  }
0x95: {  	s3 =	sld [smem:$0x3FFD];
	_ =	sdelay $0x3  }
0x96: {  	_ =	strace s3  }
0x97: {  	_ =	strace $0x8FFFFFFF  }
0x98: {  	s19 =	sld [smem:$0x3FDB];
	_ =	sdelay $0x1  }
0x99: {  	s4 =	simm.s32 $_scs_section_size  }
0x9a: {  	s5 =	simm.s32 $_size__tile_overlayer_lowered;
	s6 =	simm.s32 $_tile_overlayer_lowered  }
0x9b: {  	s22 =	simm.s32 $0x1BFF;
	s21 =	sshll.u32 s6, $0x1;
	s3 =	sadd.s32 s4, s19  }
0x9c: {  	s7 =	simm.s32 $0x0;
	s20 =	sshll.u32 s5, $0x1;
	s5 =	sadd.s32 s21, s3  }
0x9d: {  	[timem:s7], [sflag:s22] =	dma.local [hbm:s5], s20  }
0x9e: {  	_ =	swait.ge [sflag:s22], s20  }
0x9f: {  	s4 =	ssub.s32 $0x0, s20;
	[sflag:s22] =	ssyncset.done $0x0  }
0xa0: {  	[sflag:s22] =	ssyncadd.s32 s4;
	_ =	sdelay $0x1  }
0xa1: {  	s23 =	simm.s32 $0x1B8B  }
0xa2: {  	_ =	swait.ge [sflag:s23], $0x1  }
0xa3: {  	[sflag:s23] =	ssyncset.done $0x0  }
0xa4: {  	s25 =	simm.s32 $0x1B8E;
	s24 =	sld [smem:$0x3FFE];
	[sflag:s23] =	ssyncadd.s32 $0xFFFFFFFF  }
0xa5: {  	s26 =	simm.s32 $execute0_lowered;
	[smem:$0x3FD2] =	sst s25  }
0xa6: {  	s5 =	sshll.u32 s26, $0x1;
	_ =	strace $0x80000046;
	[dreg:$0x1] =	wrdreg $0xFFFFFFFF  }
0xa7: {  	s28 =	simm.s32 $_size_execute0_lowered;
	s3 =	sadd.s32 s3, s5;
	[dreg:$0x0] =	wrdreg $0x0  }
0xa8: {  	s5 =	sshll.u32 s28, $0x1;
	[dreg:$0x2] =	wrdreg s3  }
0xa9: {  	[dreg:$0x3] =	wrdreg s5  }
0xaa: {  	[dreg:$0x4] =	wrdreg $0xC0  }
0xab: {  	_ =	task [dreg:s7], $0x5FFFF  }
0xac: {  	[dreg:$0x1] =	wrdreg $0xFFFFFFFF  }
0xad: {  	[dreg:$0x0] =	wrdreg $0x60  }
0xae: {  	[dreg:$0x2] =	wrdreg s2  }
0xaf: {  	[dreg:$0x3] =	wrdreg s24  }
0xb0: {  	[dreg:$0x4] =	wrdreg $0x9  }
0xb1: {  	_ =	task.clear_ibuf [dreg:s7], $0x5FFFF;
	_ =	strace $0x90000046  }
0xb2: {  	s29 =	simm.s32 $0x9;
	_ =	strace $0x80000048  }
0xb3: {  	_ =	swait.ge [sflag:s29], $0x1  }
0xb4: {  	[sflag:s29] =	ssyncadd.s32 $0xFFFFFFFF  }
0xb5: {  	_ =	strace $0x90000048  }
0xb6: {  	_ =	sfence  }
0xb7: {  	s30 =	sld [smem:$0x0];
	_ =	sdelay $0x2  }
0xb8: {  	s31 =	sshll.u32 s1, $0xD;
	s1 =	sshrl.u32 s1, $0x2  }
0xb9: {  	s3 =	sand.u32 $0x4000, s31;
	s1 =	sadd.s32 s1, s30  }
0xba: {  	s0 =	sor.u32 s3, s0;
	s1 =	sshll.u32 s1, $0x11  }
0xbb: {  	s0 =	sor.u32 s1, s0  }
0xbc: {  	s0 =	sadd.s32 $0x8F2B, s0  }
0xbd: {  	[sflag:s0] =	ssyncadd.remote.s32 $0x1  }
0xbe: {  	_ =	sfence.sel $0xFFFF  }
0xbf: {  	[dreg:$0x0] =	wrdreg $0xFFFFFFFF;
	(pc) =	sbr.abs _section_cstart, $3  }
0xc0: {  	[dreg:$0x1] =	wrdreg $0xFFFFFFFF  }
0xc1: {  	_ =	task.clear_ibuf [dreg:s7], $0x2FFFF;
	_ =	strace $0x9FFFFFFF  }
0xc2: {  	(tm) =	ssettm $0x7FFFFFFF  }
0xc3: {  	_ =	shalt  }
tec
execute0_lowered:
.L_overlay_start_1:
0x0: {  	(tag) =	ssettag $0x1  }
0x1: {  	s1 =	srdreg.scid;
	s4 =	rddreg [dreg:$0x0]  }
0x2: {  	s0 =	stileid.u32;
	s6 =	rddreg [dreg:$0x1];
	s2 =	simm.s32 $0x0  }
0x3: {  	s11 =	simm.s32 $0x80;
	s12 =	simm.s32 $0x900;
	s13 =	simm.s32 $0x1100  }
0x4: {  	s14 =	simm.s32 $0x1900;
	s15 =	simm.s32 $0x2100;
	s16 =	simm.s32 $0x2900  }
0x5: {  	s17 =	simm.s32 $0x3100;
	s18 =	simm.s32 $0x3900;
	s19 =	simm.s32 $0x4100  }
0x6: {  	s20 =	simm.s32 $0x4900;
	s21 =	simm.s32 $0x5100;
	s22 =	simm.s32 $0x5900  }
0x7: {  	s23 =	simm.s32 $0x6100;
	s24 =	simm.s32 $0x6900;
	s25 =	simm.s32 $0x7100  }
0x8: {  	s28 =	simm.s32 $0x1;
	s29 =	simm.s32 $0x0;
	s5 =	sand.u32 $0x1, s1  }
0x9: {  	s3 =	sshll.u32 s0, $0x8;
	[smem:$0x7FF] =	sst s2;
	s10 =	sshll.u32 s0, $0xF  }
0xa: {  	s7 =	sshll.u32 s5, $0x7;
	_ =	strace $0x80000047;
	s26 =	ssub.s32 $0x2, s5  }
0xb: {  	s30 =	sadd.s32 s10, s4;
	s31 =	sshll.u32 s5, $0xE;
	s4 =	sadd.s32 $0x10500, s6  }
0xc: {  	s5 =	sadd.s32 $0x10600, s6;
	s3 =	sor.u32 s7, s3;
	s9 =	sshrl.u32 s26, $0x1  }
0xd: {  	s10 =	simm.s32 $0x2;
	s3 =	sshrl.u32 s3, $0x3;
	s7 =	ssub.s32 s26, s9  }
0xe: {  	v2 =	vlaneseq.u32;
	s9 =	sadd.s32 s31, s30;
	s26 =	simm.s32 $0x7900;
	s8 =	sadd.s32 s3, s6  }
0xf: {  	vm0 =	vmmov $0xffff;
	v1 =	vshrl.u32 v2, $0x3;
	s3 =	sadd.s32 $0x10400, s6;
	s6 =	sadd.s32 $0x10700, s6;
	s7 =	smax.u32 s7, $0x1  }
0x10: {  	v0 =	vand.u32 $0x7, v2;
	v2 =	vor.u32 $0x8, v2;
	v1 =	vmul.u32 $0x8, v1;
	[dreg:$0x3] =	wrdreg s9;
	s9 =	simm.s32 $0x100;
	s8 =	sadd.s32 $0x10200, s8  }
.LBB2_1:
0x11: {  	s30 =	smov.u32 s8;
	s31 =	simm.s32 $0x0  }
.LBB2_2:
0x12: {  	s1 =	rddreg [dreg:$0x3]  }
0x13: {  	s1 =	sadd.s32 s31, s1  }
0x14: {  	[tilespmem:s9], [sflag:$0x2] =	stream.linear.gather [hbm4b:s1+s2], $0x8000, $0x38;
	[tilespmem:$0x8100] =	vst v63  }
0x15: {  	_ =	swait.ge [sflag:s10], $0x8000  }
0x16: {  	[sflag:s10] =	ssyncset.done $0x0  }
0x17: {  	s1 =	sadd.s32 $0xFFFFFE00, s30;
	[sflag:s10] =	ssyncadd.s32 $0xFFFF8000  }
0x18: {  	[tilespmem:s2], [sflag:$0x2] =	stream.linear.gather [hbm4b:s1+s2], $0x20, $0x38;
	[tilespmem:$0x8100] =	vst v63  }
0x19: {  	_ =	swait.ge [sflag:s10], $0x20  }
0x1a: {  	[sflag:s10] =	ssyncset.done $0x0  }
0x1b: {  	[sflag:s10] =	ssyncadd.s32 $0xFFFFFFE0  }
0x1c: {  	[tilespmem:s11], [sflag:$0x2] =	stream.linear.gather [hbm4b:s30+s2], $0x20, $0x38;
	[tilespmem:$0x8100] =	vst v63  }
0x1d: {  	_ =	swait.ge [sflag:s10], $0x20  }
0x1e: {  	[sflag:s10] =	ssyncset.done $0x0  }
0x1f: {  	[sflag:s10] =	ssyncadd.s32 $0xFFFFFFE0  }
0x20: {  	v3 =	vld [tilespmem:$0x0];
	_ =	sdelay $0x4  }
0x21: {  	v4 =	vshll.u32 v3, $0x3  }
0x22: {  	v3 =	vand.u32 $0x7, v3;
	v4 =	vand.u32 $0xFFFFFFC0, v4  }
0x23: {  	v3 =	vor.u32 v3, v4  }
0x24: {  	v4 =	vperm.xlane v3, v0;
	_ =	sdelay $0x1  }
0x25: {  	v4 =	vadd.s32 v1, v4;
	_ =	sdelay $0x4  }
0x26: {  	[hbm4b:s3+s2] =	stream.indirect_vreg.scatter [tilespmem:s9], [sflag:$0x1], $0x80, v4, vm0, $0xb8;
	[tilespmem:$0x8100] =	vst v63  }
0x27: {  	v3 =	vperm.xlane v3, v2  }
0x28: {  	[hbm4b:s4+s2] =	stream.indirect_vreg.scatter [tilespmem:s12], [sflag:$0x1], $0x80, v4, vm0, $0xb8;
	[tilespmem:$0x8100] =	vst v63  }
0x29: {  	v3 =	vadd.s32 v1, v3  }
0x2a: {  	[hbm4b:s5+s2] =	stream.indirect_vreg.scatter [tilespmem:s13], [sflag:$0x1], $0x80, v4, vm0, $0xb8;
	[tilespmem:$0x8100] =	vst v63  }
0x2b: {  	_ = 	snop  }
0x2c: {  	[hbm4b:s6+s2] =	stream.indirect_vreg.scatter [tilespmem:s14], [sflag:$0x1], $0x80, v4, vm0, $0xb8;
	[tilespmem:$0x8100] =	vst v63  }
0x2d: {  	_ = 	snop  }
0x2e: {  	[hbm4b:s3+s2] =	stream.indirect_vreg.scatter [tilespmem:s15], [sflag:$0x1], $0x80, v3, vm0, $0xb8;
	[tilespmem:$0x8100] =	vst v63  }
0x2f: {  	_ = 	snop  }
0x30: {  	[hbm4b:s4+s2] =	stream.indirect_vreg.scatter [tilespmem:s16], [sflag:$0x1], $0x80, v3, vm0, $0xb8;
	[tilespmem:$0x8100] =	vst v63  }
0x31: {  	_ = 	snop  }
0x32: {  	[hbm4b:s5+s2] =	stream.indirect_vreg.scatter [tilespmem:s17], [sflag:$0x1], $0x80, v3, vm0, $0xb8;
	[tilespmem:$0x8100] =	vst v63  }
0x33: {  	_ = 	snop  }
0x34: {  	[hbm4b:s6+s2] =	stream.indirect_vreg.scatter [tilespmem:s18], [sflag:$0x1], $0x80, v3, vm0, $0xb8;
	[tilespmem:$0x8100] =	vst v63  }
0x35: {  	v3 =	vld [tilespmem:$0x10];
	_ =	sdelay $0x4  }
0x36: {  	v61 =	vshll.u32 v3, $0x3  }
0x37: {  	v3 =	vand.u32 $0x7, v3;
	v4 =	vand.u32 $0xFFFFFFC0, v61  }
0x38: {  	v3 =	vor.u32 v3, v4  }
0x39: {  	v4 =	vperm.xlane v3, v0;
	_ =	sdelay $0x1  }
0x3a: {  	v4 =	vadd.s32 v1, v4;
	_ =	sdelay $0x4  }
0x3b: {  	[hbm4b:s3+s2] =	stream.indirect_vreg.scatter [tilespmem:s19], [sflag:$0x1], $0x80, v4, vm0, $0xb8;
	[tilespmem:$0x8100] =	vst v63  }
0x3c: {  	v3 =	vperm.xlane v3, v2  }
0x3d: {  	[hbm4b:s4+s2] =	stream.indirect_vreg.scatter [tilespmem:s20], [sflag:$0x1], $0x80, v4, vm0, $0xb8;
	[tilespmem:$0x8100] =	vst v63  }
0x3e: {  	v3 =	vadd.s32 v1, v3  }
0x3f: {  	[hbm4b:s5+s2] =	stream.indirect_vreg.scatter [tilespmem:s21], [sflag:$0x1], $0x80, v4, vm0, $0xb8;
	[tilespmem:$0x8100] =	vst v63  }
0x40: {  	_ = 	snop  }
0x41: {  	[hbm4b:s6+s2] =	stream.indirect_vreg.scatter [tilespmem:s22], [sflag:$0x1], $0x80, v4, vm0, $0xb8;
	[tilespmem:$0x8100] =	vst v63  }
0x42: {  	_ = 	snop  }
0x43: {  	[hbm4b:s3+s2] =	stream.indirect_vreg.scatter [tilespmem:s23], [sflag:$0x1], $0x80, v3, vm0, $0xb8;
	[tilespmem:$0x8100] =	vst v63  }
0x44: {  	_ = 	snop  }
0x45: {  	[hbm4b:s4+s2] =	stream.indirect_vreg.scatter [tilespmem:s24], [sflag:$0x1], $0x80, v3, vm0, $0xb8;
	[tilespmem:$0x8100] =	vst v63  }
0x46: {  	_ = 	snop  }
0x47: {  	[hbm4b:s5+s2] =	stream.indirect_vreg.scatter [tilespmem:s25], [sflag:$0x1], $0x80, v3, vm0, $0xb8;
	[tilespmem:$0x8100] =	vst v63  }
0x48: {  	_ = 	snop  }
0x49: {  	[hbm4b:s6+s2] =	stream.indirect_vreg.scatter [tilespmem:s26], [sflag:$0x1], $0x80, v3, vm0, $0xb8;
	[tilespmem:$0x8100] =	vst v63  }
0x4a: {  	v3 =	vld [tilespmem:$0x80];
	_ =	sdelay $0x4  }
0x4b: {  	v62 =	vshll.u32 v3, $0x3  }
0x4c: {  	v3 =	vand.u32 $0x7, v3;
	v4 =	vand.u32 $0xFFFFFFC0, v62  }
0x4d: {  	v3 =	vor.u32 v3, v4  }
0x4e: {  	v4 =	vperm.xlane v3, v0;
	_ =	sdelay $0x1  }
0x4f: {  	v4 =	vadd.s32 v1, v4;
	_ =	sdelay $0x4  }
0x50: {  	[hbm4b:s3+s2] =	stream.indirect_vreg.scatter [tilespmem:s9], [sflag:$0x1], $0x80, v4, vm0, $0xb8;
	[tilespmem:$0x8100] =	vst v63  }
0x51: {  	v3 =	vperm.xlane v3, v2  }
0x52: {  	[hbm4b:s4+s2] =	stream.indirect_vreg.scatter [tilespmem:s12], [sflag:$0x1], $0x80, v4, vm0, $0xb8;
	[tilespmem:$0x8100] =	vst v63  }
0x53: {  	v3 =	vadd.s32 v1, v3  }
0x54: {  	[hbm4b:s5+s2] =	stream.indirect_vreg.scatter [tilespmem:s13], [sflag:$0x1], $0x80, v4, vm0, $0xb8;
	[tilespmem:$0x8100] =	vst v63  }
0x55: {  	_ = 	snop  }
0x56: {  	[hbm4b:s6+s2] =	stream.indirect_vreg.scatter [tilespmem:s14], [sflag:$0x1], $0x80, v4, vm0, $0xb8;
	[tilespmem:$0x8100] =	vst v63  }
0x57: {  	_ = 	snop  }
0x58: {  	[hbm4b:s3+s2] =	stream.indirect_vreg.scatter [tilespmem:s15], [sflag:$0x1], $0x80, v3, vm0, $0xb8;
	[tilespmem:$0x8100] =	vst v63  }
0x59: {  	_ = 	snop  }
0x5a: {  	[hbm4b:s4+s2] =	stream.indirect_vreg.scatter [tilespmem:s16], [sflag:$0x1], $0x80, v3, vm0, $0xb8;
	[tilespmem:$0x8100] =	vst v63  }
0x5b: {  	_ = 	snop  }
0x5c: {  	[hbm4b:s5+s2] =	stream.indirect_vreg.scatter [tilespmem:s17], [sflag:$0x1], $0x80, v3, vm0, $0xb8;
	[tilespmem:$0x8100] =	vst v63  }
0x5d: {  	_ = 	snop  }
0x5e: {  	[hbm4b:s6+s2] =	stream.indirect_vreg.scatter [tilespmem:s18], [sflag:$0x1], $0x80, v3, vm0, $0xb8;
	[tilespmem:$0x8100] =	vst v63  }
0x5f: {  	v3 =	vld [tilespmem:$0x90];
	_ =	sdelay $0x4  }
0x60: {  	v63 =	vshll.u32 v3, $0x3  }
0x61: {  	v3 =	vand.u32 $0x7, v3;
	v4 =	vand.u32 $0xFFFFFFC0, v63  }
0x62: {  	v3 =	vor.u32 v3, v4  }
0x63: {  	v4 =	vperm.xlane v3, v0;
	_ =	sdelay $0x1  }
0x64: {  	v4 =	vadd.s32 v1, v4;
	_ =	sdelay $0x4  }
0x65: {  	[hbm4b:s3+s2] =	stream.indirect_vreg.scatter [tilespmem:s19], [sflag:$0x1], $0x80, v4, vm0, $0xb8;
	[tilespmem:$0x8100] =	vst v63  }
0x66: {  	v3 =	vperm.xlane v3, v2  }
0x67: {  	[hbm4b:s4+s2] =	stream.indirect_vreg.scatter [tilespmem:s20], [sflag:$0x1], $0x80, v4, vm0, $0xb8;
	[tilespmem:$0x8100] =	vst v63  }
0x68: {  	v3 =	vadd.s32 v1, v3  }
0x69: {  	[hbm4b:s5+s2] =	stream.indirect_vreg.scatter [tilespmem:s21], [sflag:$0x1], $0x80, v4, vm0, $0xb8;
	[tilespmem:$0x8100] =	vst v63  }
0x6a: {  	_ = 	snop  }
0x6b: {  	[hbm4b:s6+s2] =	stream.indirect_vreg.scatter [tilespmem:s22], [sflag:$0x1], $0x80, v4, vm0, $0xb8;
	[tilespmem:$0x8100] =	vst v63  }
0x6c: {  	_ = 	snop  }
0x6d: {  	[hbm4b:s3+s2] =	stream.indirect_vreg.scatter [tilespmem:s23], [sflag:$0x1], $0x80, v3, vm0, $0xb8;
	[tilespmem:$0x8100] =	vst v63  }
0x6e: {  	_ = 	snop  }
0x6f: {  	[hbm4b:s4+s2] =	stream.indirect_vreg.scatter [tilespmem:s24], [sflag:$0x1], $0x80, v3, vm0, $0xb8;
	[tilespmem:$0x8100] =	vst v63  }
0x70: {  	_ = 	snop  }
0x71: {  	[hbm4b:s5+s2] =	stream.indirect_vreg.scatter [tilespmem:s25], [sflag:$0x1], $0x80, v3, vm0, $0xb8;
	[tilespmem:$0x8100] =	vst v63  }
0x72: {  	_ = 	snop  }
0x73: {  	[hbm4b:s6+s2] =	stream.indirect_vreg.scatter [tilespmem:s26], [sflag:$0x1], $0x80, v3, vm0, $0xb8;
	[tilespmem:$0x8100] =	vst v63  }
0x74: {  	p0 =	sne.s32 s31, $0x3000;
	_ =	swait.ge [sflag:s28], $0x8000  }
.Ltmp0:
0x75: {  	[sflag:s28] =	ssyncset.done $0x0;
	(pc) =	sbr.rel @p0 .LBB2_2-.Ltmp0, $4  }
0x76: {  	[sflag:s28] =	ssyncadd.s32 $0xFFFF8000  }
0x77: {  	_ =	swait.ge [sflag:s28], $0x8000  }
0x78: {  	[sflag:s28] =	ssyncset.done $0x0  }
0x79: {  	s31 =	sadd.s32 $0x1000, s31;
	s30 =	sadd.s32 $0x4, s30;
	[sflag:s28] =	ssyncadd.s32 $0xFFFF8000  }
0x7a: {  	s29 =	sadd.s32 $0x1, s29  }
0x7b: {  	p0 =	sne.s32 s29, s7  }
.Ltmp1:
0x7c: {  	_ = 	snop;
	(pc) =	sbr.rel @p0 .LBB2_1-.Ltmp1, $1  }
0x7d: {  	_ =	sdelay $0x3  }
0x7e: {  	_ =	sfence.sel $0x180000  }
0x7f: {  	[bflag:$0x0] =	sbarrier.arrive $0xFFFF  }
0x80: {  	_ =	strace $0x90000047  }
0x81: {  	[bflag:$0x2] =	sbarrier.arrive $0xFFFF  }
0x82: {  	p0 =	sne.s32 s0, $0x0;
	s0 =	rddreg [dreg:$0x2]  }
0x83: {  	s0 =	sadd.s32 @!p0 $0x100000, s0  }
0x84: {  	[sflag:s0] =	ssyncadd.tile.s32 @!p0 $0x1;
	_ =	shalt  }
.Lfunc_end2:
_tile_overlayer_lowered:
.L_overlay_start_2:
0x85: {  	(tag) =	ssettag $0x2  }
0x86: {  	s0 =	rddreg [dreg:$0x0];
	s2 =	stileid.u32  }
0x87: {  	s1 =	rddreg [dreg:$0x1];
	p0 =	sne.s32 s2, $0x0  }
0x88: {  	s3 =	rddreg [dreg:$0x2];
	[bflag:$0x3] =	sbarrier.arrive $0xFFFF;
	s2 =	simm.s32 @!p0 $0x1C02  }
0x89: {  	[timem:s3], [sflag:s2] =	dma.local @!p0 [hbm:s0], s1  }
0x8a: {  	s0 =	simm.s32 @!p0 $0x2  }
0x8b: {  	_ =	swait.ge @!p0 [sflag:s0], s1  }
0x8c: {  	s1 =	ssub.s32 @!p0 $0x0, s1;
	[sflag:s0] =	ssyncset.done @!p0 $0x0  }
0x8d: {  	[sflag:s0] =	ssyncadd.s32 @!p0 s1  }
0x8e: {  	[bflag:$0x3] =	sbarrier.arrive $0xFFFF  }
0x8f: {  	_ =	shalt  }

</sc_bundles>
